<compile_context>
chip_gen: v7x
topology: tpu7x:2x2x1
jax: 0.10.2.dev20260603
libtpu: 0.0.44.dev20260713+nightly
codegen_flags: <defaults>
</compile_context>

<pallas_src>
import jax
import jax.numpy as jnp
import numpy as np
from jax import lax
from jax.experimental import pallas as pl
from jax.experimental.pallas import tpu as pltpu
from jax.experimental.pallas import tpu_sc as plsc

B = 16384
F = 26
V = 100000
D = 32
NUM = 13
OUTW = F * D + NUM

NC = 2
NS = 16
NW = NC * NS
BPW = B // NW
C = 64
NSUB = BPW // C
GROUPS = C * F // 128


def _body(num_hbm, cat_hbm, ftab_hbm, off_hbm, out_hbm,
          idxraw_v, idxflat_v, off_v, emb_v, num_v, stage_v, sem):
    wid = lax.axis_index("s") * NC + lax.axis_index("c")
    lanes = lax.iota(jnp.int32, 16)
    num_mask = lanes < NUM

    pltpu.sync_copy(off_hbm, off_v)

    def chunk_body(j, _):
        row0 = wid * BPW + j * C

        pltpu.sync_copy(cat_hbm.at[pl.ds(row0 * F, C * F)], idxraw_v)
        pltpu.sync_copy(num_hbm.at[pl.ds(row0 * NUM, C * NUM)],
                        num_v.at[pl.ds(0, C * NUM)])

        def idx_body(g, _):
            for l in range(8):
                v = idxraw_v[pl.ds((g * 8 + l) * 16, 16)] \
                    + off_v[pl.ds((g * 8 + l) * 16, 16)]
                idxflat_v[g, pl.ds(l * 16, 16)] = v
            return 0

        lax.fori_loop(0, GROUPS, idx_body, 0)

        descs = []
        for g in range(GROUPS):
            descs.append(pltpu.async_copy(
                ftab_hbm.at[idxflat_v.at[g]],
                emb_v.at[pl.ds(g * 128, 128)], sem))
        for d in descs:
            d.wait()

        def row_body(c, _):
            sb = c * OUTW
            er = c * F
            for f in range(F):
                v0 = emb_v[er + f, pl.ds(0, 16)]
                v1 = emb_v[er + f, pl.ds(16, 16)]
                plsc.store_scatter(stage_v, [sb + f * D + lanes], v0)
                plsc.store_scatter(stage_v, [sb + f * D + 16 + lanes], v1)
            nv = plsc.load_gather(num_v, [c * NUM + lanes], mask=num_mask)
            plsc.store_scatter(stage_v, [sb + F * D + lanes], nv,
                               mask=num_mask)
            return 0

        lax.fori_loop(0, C, row_body, 0)

        pltpu.sync_copy(stage_v, out_hbm.at[pl.ds(row0 * OUTW, C * OUTW)])
        return 0

    lax.fori_loop(0, NSUB, chunk_body, 0)


@jax.jit
def _run(numeric, cat_indices, tables):
    ftab = tables.reshape(F * V, D)
    cat_flat = cat_indices.reshape(B * F)
    num_flat = numeric.reshape(B * NUM)
    off = jnp.asarray(np.tile(np.arange(F, dtype=np.int32) * V, C))

    mesh = plsc.VectorSubcoreMesh(core_axis_name="c", subcore_axis_name="s")
    k = pl.kernel(
        _body,
        out_type=jax.ShapeDtypeStruct((B * OUTW,), jnp.float32),
        mesh=mesh,
        scratch_types=[
            pltpu.VMEM((C * F,), jnp.int32),
            pltpu.VMEM((GROUPS, 128), jnp.int32),
            pltpu.VMEM((C * F,), jnp.int32),
            pltpu.VMEM((C * F, D), jnp.float32),
            pltpu.VMEM((C * NUM + 16,), jnp.float32),
            pltpu.VMEM((C * OUTW,), jnp.float32),
            pltpu.SemaphoreType.DMA,
        ],
        compiler_params=pltpu.CompilerParams(
            needs_layout_passes=False, use_tc_tiling_on_sc=False),
    )
    out_flat = k(num_flat, cat_flat, ftab, off)
    return out_flat.reshape(B, OUTW)


def kernel(numeric, cat_indices, tables):
    return _run(numeric, cat_indices, tables)

# --- scband reference (transcript-rebuilt; emitter-appended) ---
"""Pipeline reference for scband-scalar-dense-features-52699248722600 (READ-ONLY COPY).

The authoritative reference and input builder live on the scoring server;
editing this copy changes nothing except your own understanding.
"""

import jax, jax.numpy as jnp
import numpy as np

B = 16384   # batch
F = 26      # number of sparse fields (embedding columns)
V = 100000  # num_buckets per identity categorical column
D = 32      # embedding dimension
NUM = 13    # number of scalar numeric columns


def setup_inputs(seed: int = 0) -> dict:
    key = jax.random.key(seed)
    k1, k2, k3 = jax.random.split(key, 3)
    numeric = jax.random.normal(k1, (B, NUM), dtype=jnp.float32)
    cat_indices = jax.random.randint(k2, (B, F), 0, V, dtype=jnp.int32)
    # one embedding table per categorical field, glorot-normal-ish init
    tables = jax.random.normal(k3, (F, V, D), dtype=jnp.float32) * (2.0 / (V + D)) ** 0.5
    return {"numeric": numeric, "cat_indices": cat_indices, "tables": tables}


def reference(numeric, cat_indices, tables):
    # For each field f: gather tables[f][cat_indices[:, f]] -> [B, D]
    # vmapped over fields -> [B, F, D]
    emb = jax.vmap(lambda t, idx: jnp.take(t, idx, axis=0), in_axes=(0, 1), out_axes=1)(tables, cat_indices)
    emb = emb.reshape(emb.shape[0], F * D)
    # aggregation='concat': concatenate all embedding outputs and scalar numeric features along feature axis
    return jnp.concatenate([emb, numeric], axis=1)

if __name__ == "__main__":
    import jax
    _d = setup_inputs()
    print(jax.jit(kernel)(*tuple(_d.values())))

</pallas_src>

<mosaic_0001>
#map = affine_map<(d0, d1) -> (0)>
#map1 = affine_map<(d0, d1) -> (0, 0)>
module attributes {stable_mosaic.version = 14 : i64} {
  func.func @_body(%arg0: i32, %arg1: i32, %arg2: memref<212992xf32, #tpu.memory_space<hbm>>, %arg3: memref<425984xi32, #tpu.memory_space<hbm>>, %arg4: memref<2600000x32xf32, #tpu.memory_space<hbm>>, %arg5: memref<1664xi32, #tpu.memory_space<hbm>>, %arg6: memref<13844480xf32, #tpu.memory_space<hbm>>, %arg7: memref<1664xi32, #tpu.memory_space<vmem>>, %arg8: memref<13x128xi32, #tpu.memory_space<vmem>>, %arg9: memref<1664xi32, #tpu.memory_space<vmem>>, %arg10: memref<1664x32xf32, #tpu.memory_space<vmem>>, %arg11: memref<848xf32, #tpu.memory_space<vmem>>, %arg12: memref<54080xf32, #tpu.memory_space<vmem>>, %arg13: memref<!tpu.dma_semaphore, #tpu.memory_space<semaphore_mem>>) attributes {dimension_semantics = [#tpu.dimension_semantics<core_parallel>, #tpu.dimension_semantics<subcore_parallel>], iteration_bounds = array<i64: 2, 16>, scalar_prefetch = 0 : i64, scratch_operands = 7 : i64, tpu.core_type = #tpu.core_type<sc_vector_subcore>, window_params = [{transform_indices = #map}, {transform_indices = #map}, {transform_indices = #map1}, {transform_indices = #map}, {transform_indices = #map}]} {
    %mul3A = arith.constant 2 : i32
    %mul3A_0 = arith.muli %arg1, %mul3A : i32
    %add3A = arith.addi %mul3A_0, %arg0 : i32
    %iota3A = tpu.iota {dimensions = array<i32: 0>} : vector<16xi32>
    %lt3A = arith.constant 13 : i32
    %lt3A_1 = vector.broadcast %lt3A : i32 to vector<16xi32>
    %lt3A_2 = arith.cmpi slt, %iota3A, %lt3A_1 : vector<16xi32>
    "tpu.region"() ({
      %run_scoped3A = tpu.sem_alloc : memref<!tpu.dma_semaphore, #tpu.memory_space<semaphore_mem>>
      tpu.enqueue_dma source(%arg5 : memref<1664xi32, #tpu.memory_space<hbm>>) target(%arg9 : memref<1664xi32, #tpu.memory_space<vmem>>) target_semaphore(%run_scoped3A : memref<!tpu.dma_semaphore, #tpu.memory_space<semaphore_mem>>)
      tpu.wait_dma2 semaphore(%run_scoped3A : memref<!tpu.dma_semaphore, #tpu.memory_space<semaphore_mem>>) src(%arg5 : memref<1664xi32, #tpu.memory_space<hbm>>) dst(%arg9 : memref<1664xi32, #tpu.memory_space<vmem>>)
      tpu.yield
    }) : () -> ()
    %scan3A = arith.constant 0 : i32
    %scan3A_3 = arith.constant 0 : i32
    %scan3A_4 = arith.constant 8 : i32
    %scan3A_5 = arith.addi %scan3A_3, %scan3A_4 : i32
    %scan3A_6 = arith.constant 1 : i32
    %scan3A_7 = scf.for %scan3A_9 = %scan3A_3 to %scan3A_5 step %scan3A_6 iter_args(%scan3A_10 = %scan3A) -> (i32)  : i32 {
      %mul3A_11 = arith.constant 512 : i32
      %mul3A_12 = arith.muli %add3A, %mul3A_11 : i32
      %mul3A_13 = arith.constant 64 : i32
      %mul3A_14 = arith.muli %scan3A_9, %mul3A_13 : i32
      %add3A_15 = arith.addi %mul3A_12, %mul3A_14 : i32
      %mul3A_16 = arith.constant 26 : i32
      %mul3A_17 = arith.muli %add3A_15, %mul3A_16 : i32
      "tpu.region"() ({
        %run_scoped3A = tpu.sem_alloc : memref<!tpu.dma_semaphore, #tpu.memory_space<semaphore_mem>>
        %dma_start3A_295 = tpu.memref_slice %arg3[%mul3A_17] : memref<425984xi32, #tpu.memory_space<hbm>> -> memref<1664xi32, #tpu.memory_space<hbm>>
        %dma_start3A_296 = tpu.memref_slice %arg3[%mul3A_17] : memref<425984xi32, #tpu.memory_space<hbm>> -> memref<1664xi32, #tpu.memory_space<hbm>>
        tpu.enqueue_dma source(%dma_start3A_296 : memref<1664xi32, #tpu.memory_space<hbm>>) target(%arg7 : memref<1664xi32, #tpu.memory_space<vmem>>) target_semaphore(%run_scoped3A : memref<!tpu.dma_semaphore, #tpu.memory_space<semaphore_mem>>)
        %dma_wait3A_297 = tpu.memref_slice %arg3[%mul3A_17] : memref<425984xi32, #tpu.memory_space<hbm>> -> memref<1664xi32, #tpu.memory_space<hbm>>
        %dma_wait3A_298 = tpu.memref_slice %arg3[%mul3A_17] : memref<425984xi32, #tpu.memory_space<hbm>> -> memref<1664xi32, #tpu.memory_space<hbm>>
        tpu.wait_dma2 semaphore(%run_scoped3A : memref<!tpu.dma_semaphore, #tpu.memory_space<semaphore_mem>>) src(%dma_wait3A_298 : memref<1664xi32, #tpu.memory_space<hbm>>) dst(%arg7 : memref<1664xi32, #tpu.memory_space<vmem>>)
        tpu.yield
      }) : () -> ()
      %mul3A_18 = arith.constant 13 : i32
      %mul3A_19 = arith.muli %add3A_15, %mul3A_18 : i32
      "tpu.region"() ({
        %run_scoped3A = tpu.sem_alloc : memref<!tpu.dma_semaphore, #tpu.memory_space<semaphore_mem>>
        %dma_start3A_295 = arith.constant 0 : i32
        %dma_start3A_296 = tpu.memref_slice %arg11[%dma_start3A_295] : memref<848xf32, #tpu.memory_space<vmem>> -> memref<832xf32, #tpu.memory_space<vmem>>
        %dma_start3A_297 = tpu.memref_slice %arg2[%mul3A_19] : memref<212992xf32, #tpu.memory_space<hbm>> -> memref<832xf32, #tpu.memory_space<hbm>>
        %dma_start3A_298 = arith.constant 0 : i32
        %dma_start3A_299 = tpu.memref_slice %arg11[%dma_start3A_298] : memref<848xf32, #tpu.memory_space<vmem>> -> memref<832xf32, #tpu.memory_space<vmem>>
        %dma_start3A_300 = tpu.memref_slice %arg2[%mul3A_19] : memref<212992xf32, #tpu.memory_space<hbm>> -> memref<832xf32, #tpu.memory_space<hbm>>
        tpu.enqueue_dma source(%dma_start3A_300 : memref<832xf32, #tpu.memory_space<hbm>>) target(%dma_start3A_299 : memref<832xf32, #tpu.memory_space<vmem>>) target_semaphore(%run_scoped3A : memref<!tpu.dma_semaphore, #tpu.memory_space<semaphore_mem>>)
        %dma_wait3A_301 = arith.constant 0 : i32
        %dma_wait3A_302 = tpu.memref_slice %arg11[%dma_wait3A_301] : memref<848xf32, #tpu.memory_space<vmem>> -> memref<832xf32, #tpu.memory_space<vmem>>
        %dma_wait3A_303 = tpu.memref_slice %arg2[%mul3A_19] : memref<212992xf32, #tpu.memory_space<hbm>> -> memref<832xf32, #tpu.memory_space<hbm>>
        %dma_wait3A_304 = arith.constant 0 : i32
        %dma_wait3A_305 = tpu.memref_slice %arg11[%dma_wait3A_304] : memref<848xf32, #tpu.memory_space<vmem>> -> memref<832xf32, #tpu.memory_space<vmem>>
        %dma_wait3A_306 = tpu.memref_slice %arg2[%mul3A_19] : memref<212992xf32, #tpu.memory_space<hbm>> -> memref<832xf32, #tpu.memory_space<hbm>>
        tpu.wait_dma2 semaphore(%run_scoped3A : memref<!tpu.dma_semaphore, #tpu.memory_space<semaphore_mem>>) src(%dma_wait3A_306 : memref<832xf32, #tpu.memory_space<hbm>>) dst(%dma_wait3A_305 : memref<832xf32, #tpu.memory_space<vmem>>)
        tpu.yield
      }) : () -> ()
      %scan3A_20 = arith.constant 0 : i32
      %scan3A_21 = arith.constant 0 : i32
      %scan3A_22 = arith.constant 13 : i32
      %scan3A_23 = arith.addi %scan3A_21, %scan3A_22 : i32
      %scan3A_24 = arith.constant 1 : i32
      %scan3A_25 = scf.for %scan3A_295 = %scan3A_21 to %scan3A_23 step %scan3A_24 iter_args(%scan3A_296 = %scan3A_20) -> (i32)  : i32 {
        %mul3A_297 = arith.constant 8 : i32
        %mul3A_298 = arith.muli %scan3A_295, %mul3A_297 : i32
        %add3A_299 = arith.constant 0 : i32
        %add3A_300 = arith.addi %mul3A_298, %add3A_299 : i32
        %mul3A_301 = arith.constant 16 : i32
        %mul3A_302 = arith.muli %add3A_300, %mul3A_301 : i32
        %get3A = arith.index_cast %mul3A_302 : i32 to index
        %get3A_303 = tpu.vector_load %arg7[%get3A] {strides = array<i32>} : memref<1664xi32, #tpu.memory_space<vmem>>, vector<16xi32>,
        %mul3A_304 = arith.constant 8 : i32
        %mul3A_305 = arith.muli %scan3A_295, %mul3A_304 : i32
        %add3A_306 = arith.constant 0 : i32
        %add3A_307 = arith.addi %mul3A_305, %add3A_306 : i32
        %mul3A_308 = arith.constant 16 : i32
        %mul3A_309 = arith.muli %add3A_307, %mul3A_308 : i32
        %get3A_310 = arith.index_cast %mul3A_309 : i32 to index
        %get3A_311 = tpu.vector_load %arg9[%get3A_310] {strides = array<i32>} : memref<1664xi32, #tpu.memory_space<vmem>>, vector<16xi32>,
        %add3A_312 = arith.addi %get3A_303, %get3A_311 : vector<16xi32>
        %swap3A = arith.index_cast %scan3A_295 : i32 to index
        %swap3A_313 = arith.constant 0 : index
        %swap3A_314 = tpu.vector_load %arg8[%swap3A, %swap3A_313] {strides = array<i32>} : memref<13x128xi32, #tpu.memory_space<vmem>>, vector<16xi32>,
        tpu.vector_store %arg8[%swap3A, %swap3A_313], %add3A_312 {strides = array<i32>} : memref<13x128xi32, #tpu.memory_space<vmem>>, vector<16xi32>,
        %mul3A_315 = arith.constant 8 : i32
        %mul3A_316 = arith.muli %scan3A_295, %mul3A_315 : i32
        %add3A_317 = arith.constant 1 : i32
        %add3A_318 = arith.addi %mul3A_316, %add3A_317 : i32
        %mul3A_319 = arith.constant 16 : i32
        %mul3A_320 = arith.muli %add3A_318, %mul3A_319 : i32
        %get3A_321 = arith.index_cast %mul3A_320 : i32 to index
        %get3A_322 = tpu.vector_load %arg7[%get3A_321] {strides = array<i32>} : memref<1664xi32, #tpu.memory_space<vmem>>, vector<16xi32>,
        %mul3A_323 = arith.constant 8 : i32
        %mul3A_324 = arith.muli %scan3A_295, %mul3A_323 : i32
        %add3A_325 = arith.constant 1 : i32
        %add3A_326 = arith.addi %mul3A_324, %add3A_325 : i32
        %mul3A_327 = arith.constant 16 : i32
        %mul3A_328 = arith.muli %add3A_326, %mul3A_327 : i32
        %get3A_329 = arith.index_cast %mul3A_328 : i32 to index
        %get3A_330 = tpu.vector_load %arg9[%get3A_329] {strides = array<i32>} : memref<1664xi32, #tpu.memory_space<vmem>>, vector<16xi32>,
        %add3A_331 = arith.addi %get3A_322, %get3A_330 : vector<16xi32>
        %swap3A_332 = arith.index_cast %scan3A_295 : i32 to index
        %swap3A_333 = arith.constant 16 : index
        %swap3A_334 = tpu.vector_load %arg8[%swap3A_332, %swap3A_333] {strides = array<i32>} : memref<13x128xi32, #tpu.memory_space<vmem>>, vector<16xi32>,
        tpu.vector_store %arg8[%swap3A_332, %swap3A_333], %add3A_331 {strides = array<i32>} : memref<13x128xi32, #tpu.memory_space<vmem>>, vector<16xi32>,
        %mul3A_335 = arith.constant 8 : i32
        %mul3A_336 = arith.muli %scan3A_295, %mul3A_335 : i32
        %add3A_337 = arith.constant 2 : i32
        %add3A_338 = arith.addi %mul3A_336, %add3A_337 : i32
        %mul3A_339 = arith.constant 16 : i32
        %mul3A_340 = arith.muli %add3A_338, %mul3A_339 : i32
        %get3A_341 = arith.index_cast %mul3A_340 : i32 to index
        %get3A_342 = tpu.vector_load %arg7[%get3A_341] {strides = array<i32>} : memref<1664xi32, #tpu.memory_space<vmem>>, vector<16xi32>,
        %mul3A_343 = arith.constant 8 : i32
        %mul3A_344 = arith.muli %scan3A_295, %mul3A_343 : i32
        %add3A_345 = arith.constant 2 : i32
        %add3A_346 = arith.addi %mul3A_344, %add3A_345 : i32
        %mul3A_347 = arith.constant 16 : i32
        %mul3A_348 = arith.muli %add3A_346, %mul3A_347 : i32
        %get3A_349 = arith.index_cast %mul3A_348 : i32 to index
        %get3A_350 = tpu.vector_load %arg9[%get3A_349] {strides = array<i32>} : memref<1664xi32, #tpu.memory_space<vmem>>, vector<16xi32>,
        %add3A_351 = arith.addi %get3A_342, %get3A_350 : vector<16xi32>
        %swap3A_352 = arith.index_cast %scan3A_295 : i32 to index
        %swap3A_353 = arith.constant 32 : index
        %swap3A_354 = tpu.vector_load %arg8[%swap3A_352, %swap3A_353] {strides = array<i32>} : memref<13x128xi32, #tpu.memory_space<vmem>>, vector<16xi32>,
        tpu.vector_store %arg8[%swap3A_352, %swap3A_353], %add3A_351 {strides = array<i32>} : memref<13x128xi32, #tpu.memory_space<vmem>>, vector<16xi32>,
        %mul3A_355 = arith.constant 8 : i32
        %mul3A_356 = arith.muli %scan3A_295, %mul3A_355 : i32
        %add3A_357 = arith.constant 3 : i32
        %add3A_358 = arith.addi %mul3A_356, %add3A_357 : i32
        %mul3A_359 = arith.constant 16 : i32
        %mul3A_360 = arith.muli %add3A_358, %mul3A_359 : i32
        %get3A_361 = arith.index_cast %mul3A_360 : i32 to index
        %get3A_362 = tpu.vector_load %arg7[%get3A_361] {strides = array<i32>} : memref<1664xi32, #tpu.memory_space<vmem>>, vector<16xi32>,
        %mul3A_363 = arith.constant 8 : i32
        %mul3A_364 = arith.muli %scan3A_295, %mul3A_363 : i32
        %add3A_365 = arith.constant 3 : i32
        %add3A_366 = arith.addi %mul3A_364, %add3A_365 : i32
        %mul3A_367 = arith.constant 16 : i32
        %mul3A_368 = arith.muli %add3A_366, %mul3A_367 : i32
        %get3A_369 = arith.index_cast %mul3A_368 : i32 to index
        %get3A_370 = tpu.vector_load %arg9[%get3A_369] {strides = array<i32>} : memref<1664xi32, #tpu.memory_space<vmem>>, vector<16xi32>,
        %add3A_371 = arith.addi %get3A_362, %get3A_370 : vector<16xi32>
        %swap3A_372 = arith.index_cast %scan3A_295 : i32 to index
        %swap3A_373 = arith.constant 48 : index
        %swap3A_374 = tpu.vector_load %arg8[%swap3A_372, %swap3A_373] {strides = array<i32>} : memref<13x128xi32, #tpu.memory_space<vmem>>, vector<16xi32>,
        tpu.vector_store %arg8[%swap3A_372, %swap3A_373], %add3A_371 {strides = array<i32>} : memref<13x128xi32, #tpu.memory_space<vmem>>, vector<16xi32>,
        %mul3A_375 = arith.constant 8 : i32
        %mul3A_376 = arith.muli %scan3A_295, %mul3A_375 : i32
        %add3A_377 = arith.constant 4 : i32
        %add3A_378 = arith.addi %mul3A_376, %add3A_377 : i32
        %mul3A_379 = arith.constant 16 : i32
        %mul3A_380 = arith.muli %add3A_378, %mul3A_379 : i32
        %get3A_381 = arith.index_cast %mul3A_380 : i32 to index
        %get3A_382 = tpu.vector_load %arg7[%get3A_381] {strides = array<i32>} : memref<1664xi32, #tpu.memory_space<vmem>>, vector<16xi32>,
        %mul3A_383 = arith.constant 8 : i32
        %mul3A_384 = arith.muli %scan3A_295, %mul3A_383 : i32
        %add3A_385 = arith.constant 4 : i32
        %add3A_386 = arith.addi %mul3A_384, %add3A_385 : i32
        %mul3A_387 = arith.constant 16 : i32
        %mul3A_388 = arith.muli %add3A_386, %mul3A_387 : i32
        %get3A_389 = arith.index_cast %mul3A_388 : i32 to index
        %get3A_390 = tpu.vector_load %arg9[%get3A_389] {strides = array<i32>} : memref<1664xi32, #tpu.memory_space<vmem>>, vector<16xi32>,
        %add3A_391 = arith.addi %get3A_382, %get3A_390 : vector<16xi32>
        %swap3A_392 = arith.index_cast %scan3A_295 : i32 to index
        %swap3A_393 = arith.constant 64 : index
        %swap3A_394 = tpu.vector_load %arg8[%swap3A_392, %swap3A_393] {strides = array<i32>} : memref<13x128xi32, #tpu.memory_space<vmem>>, vector<16xi32>,
        tpu.vector_store %arg8[%swap3A_392, %swap3A_393], %add3A_391 {strides = array<i32>} : memref<13x128xi32, #tpu.memory_space<vmem>>, vector<16xi32>,
        %mul3A_395 = arith.constant 8 : i32
        %mul3A_396 = arith.muli %scan3A_295, %mul3A_395 : i32
        %add3A_397 = arith.constant 5 : i32
        %add3A_398 = arith.addi %mul3A_396, %add3A_397 : i32
        %mul3A_399 = arith.constant 16 : i32
        %mul3A_400 = arith.muli %add3A_398, %mul3A_399 : i32
        %get3A_401 = arith.index_cast %mul3A_400 : i32 to index
        %get3A_402 = tpu.vector_load %arg7[%get3A_401] {strides = array<i32>} : memref<1664xi32, #tpu.memory_space<vmem>>, vector<16xi32>,
        %mul3A_403 = arith.constant 8 : i32
        %mul3A_404 = arith.muli %scan3A_295, %mul3A_403 : i32
        %add3A_405 = arith.constant 5 : i32
        %add3A_406 = arith.addi %mul3A_404, %add3A_405 : i32
        %mul3A_407 = arith.constant 16 : i32
        %mul3A_408 = arith.muli %add3A_406, %mul3A_407 : i32
        %get3A_409 = arith.index_cast %mul3A_408 : i32 to index
        %get3A_410 = tpu.vector_load %arg9[%get3A_409] {strides = array<i32>} : memref<1664xi32, #tpu.memory_space<vmem>>, vector<16xi32>,
        %add3A_411 = arith.addi %get3A_402, %get3A_410 : vector<16xi32>
        %swap3A_412 = arith.index_cast %scan3A_295 : i32 to index
        %swap3A_413 = arith.constant 80 : index
        %swap3A_414 = tpu.vector_load %arg8[%swap3A_412, %swap3A_413] {strides = array<i32>} : memref<13x128xi32, #tpu.memory_space<vmem>>, vector<16xi32>,
        tpu.vector_store %arg8[%swap3A_412, %swap3A_413], %add3A_411 {strides = array<i32>} : memref<13x128xi32, #tpu.memory_space<vmem>>, vector<16xi32>,
        %mul3A_415 = arith.constant 8 : i32
        %mul3A_416 = arith.muli %scan3A_295, %mul3A_415 : i32
        %add3A_417 = arith.constant 6 : i32
        %add3A_418 = arith.addi %mul3A_416, %add3A_417 : i32
        %mul3A_419 = arith.constant 16 : i32
        %mul3A_420 = arith.muli %add3A_418, %mul3A_419 : i32
        %get3A_421 = arith.index_cast %mul3A_420 : i32 to index
        %get3A_422 = tpu.vector_load %arg7[%get3A_421] {strides = array<i32>} : memref<1664xi32, #tpu.memory_space<vmem>>, vector<16xi32>,
        %mul3A_423 = arith.constant 8 : i32
        %mul3A_424 = arith.muli %scan3A_295, %mul3A_423 : i32
        %add3A_425 = arith.constant 6 : i32
        %add3A_426 = arith.addi %mul3A_424, %add3A_425 : i32
        %mul3A_427 = arith.constant 16 : i32
        %mul3A_428 = arith.muli %add3A_426, %mul3A_427 : i32
        %get3A_429 = arith.index_cast %mul3A_428 : i32 to index
        %get3A_430 = tpu.vector_load %arg9[%get3A_429] {strides = array<i32>} : memref<1664xi32, #tpu.memory_space<vmem>>, vector<16xi32>,
        %add3A_431 = arith.addi %get3A_422, %get3A_430 : vector<16xi32>
        %swap3A_432 = arith.index_cast %scan3A_295 : i32 to index
        %swap3A_433 = arith.constant 96 : index
        %swap3A_434 = tpu.vector_load %arg8[%swap3A_432, %swap3A_433] {strides = array<i32>} : memref<13x128xi32, #tpu.memory_space<vmem>>, vector<16xi32>,
        tpu.vector_store %arg8[%swap3A_432, %swap3A_433], %add3A_431 {strides = array<i32>} : memref<13x128xi32, #tpu.memory_space<vmem>>, vector<16xi32>,
        %mul3A_435 = arith.constant 8 : i32
        %mul3A_436 = arith.muli %scan3A_295, %mul3A_435 : i32
        %add3A_437 = arith.constant 7 : i32
        %add3A_438 = arith.addi %mul3A_436, %add3A_437 : i32
        %mul3A_439 = arith.constant 16 : i32
        %mul3A_440 = arith.muli %add3A_438, %mul3A_439 : i32
        %get3A_441 = arith.index_cast %mul3A_440 : i32 to index
        %get3A_442 = tpu.vector_load %arg7[%get3A_441] {strides = array<i32>} : memref<1664xi32, #tpu.memory_space<vmem>>, vector<16xi32>,
        %mul3A_443 = arith.constant 8 : i32
        %mul3A_444 = arith.muli %scan3A_295, %mul3A_443 : i32
        %add3A_445 = arith.constant 7 : i32
        %add3A_446 = arith.addi %mul3A_444, %add3A_445 : i32
        %mul3A_447 = arith.constant 16 : i32
        %mul3A_448 = arith.muli %add3A_446, %mul3A_447 : i32
        %get3A_449 = arith.index_cast %mul3A_448 : i32 to index
        %get3A_450 = tpu.vector_load %arg9[%get3A_449] {strides = array<i32>} : memref<1664xi32, #tpu.memory_space<vmem>>, vector<16xi32>,
        %add3A_451 = arith.addi %get3A_442, %get3A_450 : vector<16xi32>
        %swap3A_452 = arith.index_cast %scan3A_295 : i32 to index
        %swap3A_453 = arith.constant 112 : index
        %swap3A_454 = tpu.vector_load %arg8[%swap3A_452, %swap3A_453] {strides = array<i32>} : memref<13x128xi32, #tpu.memory_space<vmem>>, vector<16xi32>,
        tpu.vector_store %arg8[%swap3A_452, %swap3A_453], %add3A_451 {strides = array<i32>} : memref<13x128xi32, #tpu.memory_space<vmem>>, vector<16xi32>,
        %scan3A_455 = arith.constant 0 : i32
        scf.yield %scan3A_455 : i32
      }
      %scan3A_26 = arith.constant 13 : i32
      %dma_start3A = arith.constant 0 : i32
      %dma_start3A_27 = arith.constant 0 : i32
      %dma_start3A_28 = arith.constant 0 : i32
      %dma_start3A_29 = tpu.memref_slice %arg10[%dma_start3A_27, %dma_start3A_28] : memref<1664x32xf32, #tpu.memory_space<vmem>> -> memref<128x32xf32, #tpu.memory_space<vmem>>
      %dma_start3A_30 = arith.constant 0 : i32
      %dma_start3A_31 = tpu.memref_slice %arg8[%dma_start3A, %dma_start3A_30] : memref<13x128xi32, #tpu.memory_space<vmem>> -> memref<1x128xi32, #tpu.memory_space<vmem>>
      %dma_start3A_32 = tpu.memref_squeeze %dma_start3A_31 : memref<1x128xi32, #tpu.memory_space<vmem>> -> memref<128xi32, #tpu.memory_space<vmem>>
      %dma_start3A_33 = arith.constant 0 : i32
      %dma_start3A_34 = arith.constant 0 : i32
      %dma_start3A_35 = tpu.memref_slice %arg4[%dma_start3A_33, %dma_start3A_34] : memref<2600000x32xf32, #tpu.memory_space<hbm>> -> memref<2600000x32xf32, #tpu.memory_space<hbm>>
      tpu.enqueue_indirect_dma source(%dma_start3A_35 : memref<2600000x32xf32, #tpu.memory_space<hbm>>) target(%dma_start3A_29 : memref<128x32xf32, #tpu.memory_space<vmem>>) offsets(%dma_start3A_32 : memref<128xi32, #tpu.memory_space<vmem>>) semaphore(%arg13 : memref<!tpu.dma_semaphore, #tpu.memory_space<semaphore_mem>>)
      %dma_start3A_36 = arith.constant 1 : i32
      %dma_start3A_37 = arith.constant 128 : i32
      %dma_start3A_38 = arith.constant 0 : i32
      %dma_start3A_39 = tpu.memref_slice %arg10[%dma_start3A_37, %dma_start3A_38] : memref<1664x32xf32, #tpu.memory_space<vmem>> -> memref<128x32xf32, #tpu.memory_space<vmem>>
      %dma_start3A_40 = arith.constant 0 : i32
      %dma_start3A_41 = tpu.memref_slice %arg8[%dma_start3A_36, %dma_start3A_40] : memref<13x128xi32, #tpu.memory_space<vmem>> -> memref<1x128xi32, #tpu.memory_space<vmem>>
      %dma_start3A_42 = tpu.memref_squeeze %dma_start3A_41 : memref<1x128xi32, #tpu.memory_space<vmem>> -> memref<128xi32, #tpu.memory_space<vmem>>
      %dma_start3A_43 = arith.constant 0 : i32
      %dma_start3A_44 = arith.constant 0 : i32
      %dma_start3A_45 = tpu.memref_slice %arg4[%dma_start3A_43, %dma_start3A_44] : memref<2600000x32xf32, #tpu.memory_space<hbm>> -> memref<2600000x32xf32, #tpu.memory_space<hbm>>
      tpu.enqueue_indirect_dma source(%dma_start3A_45 : memref<2600000x32xf32, #tpu.memory_space<hbm>>) target(%dma_start3A_39 : memref<128x32xf32, #tpu.memory_space<vmem>>) offsets(%dma_start3A_42 : memref<128xi32, #tpu.memory_space<vmem>>) semaphore(%arg13 : memref<!tpu.dma_semaphore, #tpu.memory_space<semaphore_mem>>)
      %dma_start3A_46 = arith.constant 2 : i32
      %dma_start3A_47 = arith.constant 256 : i32
      %dma_start3A_48 = arith.constant 0 : i32
      %dma_start3A_49 = tpu.memref_slice %arg10[%dma_start3A_47, %dma_start3A_48] : memref<1664x32xf32, #tpu.memory_space<vmem>> -> memref<128x32xf32, #tpu.memory_space<vmem>>
      %dma_start3A_50 = arith.constant 0 : i32
      %dma_start3A_51 = tpu.memref_slice %arg8[%dma_start3A_46, %dma_start3A_50] : memref<13x128xi32, #tpu.memory_space<vmem>> -> memref<1x128xi32, #tpu.memory_space<vmem>>
      %dma_start3A_52 = tpu.memref_squeeze %dma_start3A_51 : memref<1x128xi32, #tpu.memory_space<vmem>> -> memref<128xi32, #tpu.memory_space<vmem>>
      %dma_start3A_53 = arith.constant 0 : i32
      %dma_start3A_54 = arith.constant 0 : i32
      %dma_start3A_55 = tpu.memref_slice %arg4[%dma_start3A_53, %dma_start3A_54] : memref<2600000x32xf32, #tpu.memory_space<hbm>> -> memref<2600000x32xf32, #tpu.memory_space<hbm>>
      tpu.enqueue_indirect_dma source(%dma_start3A_55 : memref<2600000x32xf32, #tpu.memory_space<hbm>>) target(%dma_start3A_49 : memref<128x32xf32, #tpu.memory_space<vmem>>) offsets(%dma_start3A_52 : memref<128xi32, #tpu.memory_space<vmem>>) semaphore(%arg13 : memref<!tpu.dma_semaphore, #tpu.memory_space<semaphore_mem>>)
      %dma_start3A_56 = arith.constant 3 : i32
      %dma_start3A_57 = arith.constant 384 : i32
      %dma_start3A_58 = arith.constant 0 : i32
      %dma_start3A_59 = tpu.memref_slice %arg10[%dma_start3A_57, %dma_start3A_58] : memref<1664x32xf32, #tpu.memory_space<vmem>> -> memref<128x32xf32, #tpu.memory_space<vmem>>
      %dma_start3A_60 = arith.constant 0 : i32
      %dma_start3A_61 = tpu.memref_slice %arg8[%dma_start3A_56, %dma_start3A_60] : memref<13x128xi32, #tpu.memory_space<vmem>> -> memref<1x128xi32, #tpu.memory_space<vmem>>
      %dma_start3A_62 = tpu.memref_squeeze %dma_start3A_61 : memref<1x128xi32, #tpu.memory_space<vmem>> -> memref<128xi32, #tpu.memory_space<vmem>>
      %dma_start3A_63 = arith.constant 0 : i32
      %dma_start3A_64 = arith.constant 0 : i32
      %dma_start3A_65 = tpu.memref_slice %arg4[%dma_start3A_63, %dma_start3A_64] : memref<2600000x32xf32, #tpu.memory_space<hbm>> -> memref<2600000x32xf32, #tpu.memory_space<hbm>>
      tpu.enqueue_indirect_dma source(%dma_start3A_65 : memref<2600000x32xf32, #tpu.memory_space<hbm>>) target(%dma_start3A_59 : memref<128x32xf32, #tpu.memory_space<vmem>>) offsets(%dma_start3A_62 : memref<128xi32, #tpu.memory_space<vmem>>) semaphore(%arg13 : memref<!tpu.dma_semaphore, #tpu.memory_space<semaphore_mem>>)
      %dma_start3A_66 = arith.constant 4 : i32
      %dma_start3A_67 = arith.constant 512 : i32
      %dma_start3A_68 = arith.constant 0 : i32
      %dma_start3A_69 = tpu.memref_slice %arg10[%dma_start3A_67, %dma_start3A_68] : memref<1664x32xf32, #tpu.memory_space<vmem>> -> memref<128x32xf32, #tpu.memory_space<vmem>>
      %dma_start3A_70 = arith.constant 0 : i32
      %dma_start3A_71 = tpu.memref_slice %arg8[%dma_start3A_66, %dma_start3A_70] : memref<13x128xi32, #tpu.memory_space<vmem>> -> memref<1x128xi32, #tpu.memory_space<vmem>>
      %dma_start3A_72 = tpu.memref_squeeze %dma_start3A_71 : memref<1x128xi32, #tpu.memory_space<vmem>> -> memref<128xi32, #tpu.memory_space<vmem>>
      %dma_start3A_73 = arith.constant 0 : i32
      %dma_start3A_74 = arith.constant 0 : i32
      %dma_start3A_75 = tpu.memref_slice %arg4[%dma_start3A_73, %dma_start3A_74] : memref<2600000x32xf32, #tpu.memory_space<hbm>> -> memref<2600000x32xf32, #tpu.memory_space<hbm>>
      tpu.enqueue_indirect_dma source(%dma_start3A_75 : memref<2600000x32xf32, #tpu.memory_space<hbm>>) target(%dma_start3A_69 : memref<128x32xf32, #tpu.memory_space<vmem>>) offsets(%dma_start3A_72 : memref<128xi32, #tpu.memory_space<vmem>>) semaphore(%arg13 : memref<!tpu.dma_semaphore, #tpu.memory_space<semaphore_mem>>)
      %dma_start3A_76 = arith.constant 5 : i32
      %dma_start3A_77 = arith.constant 640 : i32
      %dma_start3A_78 = arith.constant 0 : i32
      %dma_start3A_79 = tpu.memref_slice %arg10[%dma_start3A_77, %dma_start3A_78] : memref<1664x32xf32, #tpu.memory_space<vmem>> -> memref<128x32xf32, #tpu.memory_space<vmem>>
      %dma_start3A_80 = arith.constant 0 : i32
      %dma_start3A_81 = tpu.memref_slice %arg8[%dma_start3A_76, %dma_start3A_80] : memref<13x128xi32, #tpu.memory_space<vmem>> -> memref<1x128xi32, #tpu.memory_space<vmem>>
      %dma_start3A_82 = tpu.memref_squeeze %dma_start3A_81 : memref<1x128xi32, #tpu.memory_space<vmem>> -> memref<128xi32, #tpu.memory_space<vmem>>
      %dma_start3A_83 = arith.constant 0 : i32
      %dma_start3A_84 = arith.constant 0 : i32
      %dma_start3A_85 = tpu.memref_slice %arg4[%dma_start3A_83, %dma_start3A_84] : memref<2600000x32xf32, #tpu.memory_space<hbm>> -> memref<2600000x32xf32, #tpu.memory_space<hbm>>
      tpu.enqueue_indirect_dma source(%dma_start3A_85 : memref<2600000x32xf32, #tpu.memory_space<hbm>>) target(%dma_start3A_79 : memref<128x32xf32, #tpu.memory_space<vmem>>) offsets(%dma_start3A_82 : memref<128xi32, #tpu.memory_space<vmem>>) semaphore(%arg13 : memref<!tpu.dma_semaphore, #tpu.memory_space<semaphore_mem>>)
      %dma_start3A_86 = arith.constant 6 : i32
      %dma_start3A_87 = arith.constant 768 : i32
      %dma_start3A_88 = arith.constant 0 : i32
      %dma_start3A_89 = tpu.memref_slice %arg10[%dma_start3A_87, %dma_start3A_88] : memref<1664x32xf32, #tpu.memory_space<vmem>> -> memref<128x32xf32, #tpu.memory_space<vmem>>
      %dma_start3A_90 = arith.constant 0 : i32
      %dma_start3A_91 = tpu.memref_slice %arg8[%dma_start3A_86, %dma_start3A_90] : memref<13x128xi32, #tpu.memory_space<vmem>> -> memref<1x128xi32, #tpu.memory_space<vmem>>
      %dma_start3A_92 = tpu.memref_squeeze %dma_start3A_91 : memref<1x128xi32, #tpu.memory_space<vmem>> -> memref<128xi32, #tpu.memory_space<vmem>>
      %dma_start3A_93 = arith.constant 0 : i32
      %dma_start3A_94 = arith.constant 0 : i32
      %dma_start3A_95 = tpu.memref_slice %arg4[%dma_start3A_93, %dma_start3A_94] : memref<2600000x32xf32, #tpu.memory_space<hbm>> -> memref<2600000x32xf32, #tpu.memory_space<hbm>>
      tpu.enqueue_indirect_dma source(%dma_start3A_95 : memref<2600000x32xf32, #tpu.memory_space<hbm>>) target(%dma_start3A_89 : memref<128x32xf32, #tpu.memory_space<vmem>>) offsets(%dma_start3A_92 : memref<128xi32, #tpu.memory_space<vmem>>) semaphore(%arg13 : memref<!tpu.dma_semaphore, #tpu.memory_space<semaphore_mem>>)
      %dma_start3A_96 = arith.constant 7 : i32
      %dma_start3A_97 = arith.constant 896 : i32
      %dma_start3A_98 = arith.constant 0 : i32
      %dma_start3A_99 = tpu.memref_slice %arg10[%dma_start3A_97, %dma_start3A_98] : memref<1664x32xf32, #tpu.memory_space<vmem>> -> memref<128x32xf32, #tpu.memory_space<vmem>>
      %dma_start3A_100 = arith.constant 0 : i32
      %dma_start3A_101 = tpu.memref_slice %arg8[%dma_start3A_96, %dma_start3A_100] : memref<13x128xi32, #tpu.memory_space<vmem>> -> memref<1x128xi32, #tpu.memory_space<vmem>>
      %dma_start3A_102 = tpu.memref_squeeze %dma_start3A_101 : memref<1x128xi32, #tpu.memory_space<vmem>> -> memref<128xi32, #tpu.memory_space<vmem>>
      %dma_start3A_103 = arith.constant 0 : i32
      %dma_start3A_104 = arith.constant 0 : i32
      %dma_start3A_105 = tpu.memref_slice %arg4[%dma_start3A_103, %dma_start3A_104] : memref<2600000x32xf32, #tpu.memory_space<hbm>> -> memref<2600000x32xf32, #tpu.memory_space<hbm>>
      tpu.enqueue_indirect_dma source(%dma_start3A_105 : memref<2600000x32xf32, #tpu.memory_space<hbm>>) target(%dma_start3A_99 : memref<128x32xf32, #tpu.memory_space<vmem>>) offsets(%dma_start3A_102 : memref<128xi32, #tpu.memory_space<vmem>>) semaphore(%arg13 : memref<!tpu.dma_semaphore, #tpu.memory_space<semaphore_mem>>)
      %dma_start3A_106 = arith.constant 8 : i32
      %dma_start3A_107 = arith.constant 1024 : i32
      %dma_start3A_108 = arith.constant 0 : i32
      %dma_start3A_109 = tpu.memref_slice %arg10[%dma_start3A_107, %dma_start3A_108] : memref<1664x32xf32, #tpu.memory_space<vmem>> -> memref<128x32xf32, #tpu.memory_space<vmem>>
      %dma_start3A_110 = arith.constant 0 : i32
      %dma_start3A_111 = tpu.memref_slice %arg8[%dma_start3A_106, %dma_start3A_110] : memref<13x128xi32, #tpu.memory_space<vmem>> -> memref<1x128xi32, #tpu.memory_space<vmem>>
      %dma_start3A_112 = tpu.memref_squeeze %dma_start3A_111 : memref<1x128xi32, #tpu.memory_space<vmem>> -> memref<128xi32, #tpu.memory_space<vmem>>
      %dma_start3A_113 = arith.constant 0 : i32
      %dma_start3A_114 = arith.constant 0 : i32
      %dma_start3A_115 = tpu.memref_slice %arg4[%dma_start3A_113, %dma_start3A_114] : memref<2600000x32xf32, #tpu.memory_space<hbm>> -> memref<2600000x32xf32, #tpu.memory_space<hbm>>
      tpu.enqueue_indirect_dma source(%dma_start3A_115 : memref<2600000x32xf32, #tpu.memory_space<hbm>>) target(%dma_start3A_109 : memref<128x32xf32, #tpu.memory_space<vmem>>) offsets(%dma_start3A_112 : memref<128xi32, #tpu.memory_space<vmem>>) semaphore(%arg13 : memref<!tpu.dma_semaphore, #tpu.memory_space<semaphore_mem>>)
      %dma_start3A_116 = arith.constant 9 : i32
      %dma_start3A_117 = arith.constant 1152 : i32
      %dma_start3A_118 = arith.constant 0 : i32
      %dma_start3A_119 = tpu.memref_slice %arg10[%dma_start3A_117, %dma_start3A_118] : memref<1664x32xf32, #tpu.memory_space<vmem>> -> memref<128x32xf32, #tpu.memory_space<vmem>>
      %dma_start3A_120 = arith.constant 0 : i32
      %dma_start3A_121 = tpu.memref_slice %arg8[%dma_start3A_116, %dma_start3A_120] : memref<13x128xi32, #tpu.memory_space<vmem>> -> memref<1x128xi32, #tpu.memory_space<vmem>>
      %dma_start3A_122 = tpu.memref_squeeze %dma_start3A_121 : memref<1x128xi32, #tpu.memory_space<vmem>> -> memref<128xi32, #tpu.memory_space<vmem>>
      %dma_start3A_123 = arith.constant 0 : i32
      %dma_start3A_124 = arith.constant 0 : i32
      %dma_start3A_125 = tpu.memref_slice %arg4[%dma_start3A_123, %dma_start3A_124] : memref<2600000x32xf32, #tpu.memory_space<hbm>> -> memref<2600000x32xf32, #tpu.memory_space<hbm>>
      tpu.enqueue_indirect_dma source(%dma_start3A_125 : memref<2600000x32xf32, #tpu.memory_space<hbm>>) target(%dma_start3A_119 : memref<128x32xf32, #tpu.memory_space<vmem>>) offsets(%dma_start3A_122 : memref<128xi32, #tpu.memory_space<vmem>>) semaphore(%arg13 : memref<!tpu.dma_semaphore, #tpu.memory_space<semaphore_mem>>)
      %dma_start3A_126 = arith.constant 10 : i32
      %dma_start3A_127 = arith.constant 1280 : i32
      %dma_start3A_128 = arith.constant 0 : i32
      %dma_start3A_129 = tpu.memref_slice %arg10[%dma_start3A_127, %dma_start3A_128] : memref<1664x32xf32, #tpu.memory_space<vmem>> -> memref<128x32xf32, #tpu.memory_space<vmem>>
      %dma_start3A_130 = arith.constant 0 : i32
      %dma_start3A_131 = tpu.memref_slice %arg8[%dma_start3A_126, %dma_start3A_130] : memref<13x128xi32, #tpu.memory_space<vmem>> -> memref<1x128xi32, #tpu.memory_space<vmem>>
      %dma_start3A_132 = tpu.memref_squeeze %dma_start3A_131 : memref<1x128xi32, #tpu.memory_space<vmem>> -> memref<128xi32, #tpu.memory_space<vmem>>
      %dma_start3A_133 = arith.constant 0 : i32
      %dma_start3A_134 = arith.constant 0 : i32
      %dma_start3A_135 = tpu.memref_slice %arg4[%dma_start3A_133, %dma_start3A_134] : memref<2600000x32xf32, #tpu.memory_space<hbm>> -> memref<2600000x32xf32, #tpu.memory_space<hbm>>
      tpu.enqueue_indirect_dma source(%dma_start3A_135 : memref<2600000x32xf32, #tpu.memory_space<hbm>>) target(%dma_start3A_129 : memref<128x32xf32, #tpu.memory_space<vmem>>) offsets(%dma_start3A_132 : memref<128xi32, #tpu.memory_space<vmem>>) semaphore(%arg13 : memref<!tpu.dma_semaphore, #tpu.memory_space<semaphore_mem>>)
      %dma_start3A_136 = arith.constant 11 : i32
      %dma_start3A_137 = arith.constant 1408 : i32
      %dma_start3A_138 = arith.constant 0 : i32
      %dma_start3A_139 = tpu.memref_slice %arg10[%dma_start3A_137, %dma_start3A_138] : memref<1664x32xf32, #tpu.memory_space<vmem>> -> memref<128x32xf32, #tpu.memory_space<vmem>>
      %dma_start3A_140 = arith.constant 0 : i32
      %dma_start3A_141 = tpu.memref_slice %arg8[%dma_start3A_136, %dma_start3A_140] : memref<13x128xi32, #tpu.memory_space<vmem>> -> memref<1x128xi32, #tpu.memory_space<vmem>>
      %dma_start3A_142 = tpu.memref_squeeze %dma_start3A_141 : memref<1x128xi32, #tpu.memory_space<vmem>> -> memref<128xi32, #tpu.memory_space<vmem>>
      %dma_start3A_143 = arith.constant 0 : i32
      %dma_start3A_144 = arith.constant 0 : i32
      %dma_start3A_145 = tpu.memref_slice %arg4[%dma_start3A_143, %dma_start3A_144] : memref<2600000x32xf32, #tpu.memory_space<hbm>> -> memref<2600000x32xf32, #tpu.memory_space<hbm>>
      tpu.enqueue_indirect_dma source(%dma_start3A_145 : memref<2600000x32xf32, #tpu.memory_space<hbm>>) target(%dma_start3A_139 : memref<128x32xf32, #tpu.memory_space<vmem>>) offsets(%dma_start3A_142 : memref<128xi32, #tpu.memory_space<vmem>>) semaphore(%arg13 : memref<!tpu.dma_semaphore, #tpu.memory_space<semaphore_mem>>)
      %dma_start3A_146 = arith.constant 12 : i32
      %dma_start3A_147 = arith.constant 1536 : i32
      %dma_start3A_148 = arith.constant 0 : i32
      %dma_start3A_149 = tpu.memref_slice %arg10[%dma_start3A_147, %dma_start3A_148] : memref<1664x32xf32, #tpu.memory_space<vmem>> -> memref<128x32xf32, #tpu.memory_space<vmem>>
      %dma_start3A_150 = arith.constant 0 : i32
      %dma_start3A_151 = tpu.memref_slice %arg8[%dma_start3A_146, %dma_start3A_150] : memref<13x128xi32, #tpu.memory_space<vmem>> -> memref<1x128xi32, #tpu.memory_space<vmem>>
      %dma_start3A_152 = tpu.memref_squeeze %dma_start3A_151 : memref<1x128xi32, #tpu.memory_space<vmem>> -> memref<128xi32, #tpu.memory_space<vmem>>
      %dma_start3A_153 = arith.constant 0 : i32
      %dma_start3A_154 = arith.constant 0 : i32
      %dma_start3A_155 = tpu.memref_slice %arg4[%dma_start3A_153, %dma_start3A_154] : memref<2600000x32xf32, #tpu.memory_space<hbm>> -> memref<2600000x32xf32, #tpu.memory_space<hbm>>
      tpu.enqueue_indirect_dma source(%dma_start3A_155 : memref<2600000x32xf32, #tpu.memory_space<hbm>>) target(%dma_start3A_149 : memref<128x32xf32, #tpu.memory_space<vmem>>) offsets(%dma_start3A_152 : memref<128xi32, #tpu.memory_space<vmem>>) semaphore(%arg13 : memref<!tpu.dma_semaphore, #tpu.memory_space<semaphore_mem>>)
      %dma_wait3A = arith.constant 0 : i32
      %dma_wait3A_156 = arith.constant 0 : i32
      %dma_wait3A_157 = arith.constant 0 : i32
      %dma_wait3A_158 = tpu.memref_slice %arg10[%dma_wait3A_156, %dma_wait3A_157] : memref<1664x32xf32, #tpu.memory_space<vmem>> -> memref<128x32xf32, #tpu.memory_space<vmem>>
      %dma_wait3A_159 = arith.constant 0 : i32
      %dma_wait3A_160 = tpu.memref_slice %arg8[%dma_wait3A, %dma_wait3A_159] : memref<13x128xi32, #tpu.memory_space<vmem>> -> memref<1x128xi32, #tpu.memory_space<vmem>>
      %dma_wait3A_161 = tpu.memref_squeeze %dma_wait3A_160 : memref<1x128xi32, #tpu.memory_space<vmem>> -> memref<128xi32, #tpu.memory_space<vmem>>
      %dma_wait3A_162 = arith.constant 0 : i32
      %dma_wait3A_163 = arith.constant 0 : i32
      %dma_wait3A_164 = tpu.memref_slice %arg4[%dma_wait3A_162, %dma_wait3A_163] : memref<2600000x32xf32, #tpu.memory_space<hbm>> -> memref<2600000x32xf32, #tpu.memory_space<hbm>>
      tpu.wait_indirect_dma semaphore(%arg13 : memref<!tpu.dma_semaphore, #tpu.memory_space<semaphore_mem>>) src(%dma_wait3A_164 : memref<2600000x32xf32, #tpu.memory_space<hbm>>) dst(%dma_wait3A_158 : memref<128x32xf32, #tpu.memory_space<vmem>>)
      %dma_wait3A_165 = arith.constant 1 : i32
      %dma_wait3A_166 = arith.constant 128 : i32
      %dma_wait3A_167 = arith.constant 0 : i32
      %dma_wait3A_168 = tpu.memref_slice %arg10[%dma_wait3A_166, %dma_wait3A_167] : memref<1664x32xf32, #tpu.memory_space<vmem>> -> memref<128x32xf32, #tpu.memory_space<vmem>>
      %dma_wait3A_169 = arith.constant 0 : i32
      %dma_wait3A_170 = tpu.memref_slice %arg8[%dma_wait3A_165, %dma_wait3A_169] : memref<13x128xi32, #tpu.memory_space<vmem>> -> memref<1x128xi32, #tpu.memory_space<vmem>>
      %dma_wait3A_171 = tpu.memref_squeeze %dma_wait3A_170 : memref<1x128xi32, #tpu.memory_space<vmem>> -> memref<128xi32, #tpu.memory_space<vmem>>
      %dma_wait3A_172 = arith.constant 0 : i32
      %dma_wait3A_173 = arith.constant 0 : i32
      %dma_wait3A_174 = tpu.memref_slice %arg4[%dma_wait3A_172, %dma_wait3A_173] : memref<2600000x32xf32, #tpu.memory_space<hbm>> -> memref<2600000x32xf32, #tpu.memory_space<hbm>>
      tpu.wait_indirect_dma semaphore(%arg13 : memref<!tpu.dma_semaphore, #tpu.memory_space<semaphore_mem>>) src(%dma_wait3A_174 : memref<2600000x32xf32, #tpu.memory_space<hbm>>) dst(%dma_wait3A_168 : memref<128x32xf32, #tpu.memory_space<vmem>>)
      %dma_wait3A_175 = arith.constant 2 : i32
      %dma_wait3A_176 = arith.constant 256 : i32
      %dma_wait3A_177 = arith.constant 0 : i32
      %dma_wait3A_178 = tpu.memref_slice %arg10[%dma_wait3A_176, %dma_wait3A_177] : memref<1664x32xf32, #tpu.memory_space<vmem>> -> memref<128x32xf32, #tpu.memory_space<vmem>>
      %dma_wait3A_179 = arith.constant 0 : i32
      %dma_wait3A_180 = tpu.memref_slice %arg8[%dma_wait3A_175, %dma_wait3A_179] : memref<13x128xi32, #tpu.memory_space<vmem>> -> memref<1x128xi32, #tpu.memory_space<vmem>>
      %dma_wait3A_181 = tpu.memref_squeeze %dma_wait3A_180 : memref<1x128xi32, #tpu.memory_space<vmem>> -> memref<128xi32, #tpu.memory_space<vmem>>
      %dma_wait3A_182 = arith.constant 0 : i32
      %dma_wait3A_183 = arith.constant 0 : i32
      %dma_wait3A_184 = tpu.memref_slice %arg4[%dma_wait3A_182, %dma_wait3A_183] : memref<2600000x32xf32, #tpu.memory_space<hbm>> -> memref<2600000x32xf32, #tpu.memory_space<hbm>>
      tpu.wait_indirect_dma semaphore(%arg13 : memref<!tpu.dma_semaphore, #tpu.memory_space<semaphore_mem>>) src(%dma_wait3A_184 : memref<2600000x32xf32, #tpu.memory_space<hbm>>) dst(%dma_wait3A_178 : memref<128x32xf32, #tpu.memory_space<vmem>>)
      %dma_wait3A_185 = arith.constant 3 : i32
      %dma_wait3A_186 = arith.constant 384 : i32
      %dma_wait3A_187 = arith.constant 0 : i32
      %dma_wait3A_188 = tpu.memref_slice %arg10[%dma_wait3A_186, %dma_wait3A_187] : memref<1664x32xf32, #tpu.memory_space<vmem>> -> memref<128x32xf32, #tpu.memory_space<vmem>>
      %dma_wait3A_189 = arith.constant 0 : i32
      %dma_wait3A_190 = tpu.memref_slice %arg8[%dma_wait3A_185, %dma_wait3A_189] : memref<13x128xi32, #tpu.memory_space<vmem>> -> memref<1x128xi32, #tpu.memory_space<vmem>>
      %dma_wait3A_191 = tpu.memref_squeeze %dma_wait3A_190 : memref<1x128xi32, #tpu.memory_space<vmem>> -> memref<128xi32, #tpu.memory_space<vmem>>
      %dma_wait3A_192 = arith.constant 0 : i32
      %dma_wait3A_193 = arith.constant 0 : i32
      %dma_wait3A_194 = tpu.memref_slice %arg4[%dma_wait3A_192, %dma_wait3A_193] : memref<2600000x32xf32, #tpu.memory_space<hbm>> -> memref<2600000x32xf32, #tpu.memory_space<hbm>>
      tpu.wait_indirect_dma semaphore(%arg13 : memref<!tpu.dma_semaphore, #tpu.memory_space<semaphore_mem>>) src(%dma_wait3A_194 : memref<2600000x32xf32, #tpu.memory_space<hbm>>) dst(%dma_wait3A_188 : memref<128x32xf32, #tpu.memory_space<vmem>>)
      %dma_wait3A_195 = arith.constant 4 : i32
      %dma_wait3A_196 = arith.constant 512 : i32
      %dma_wait3A_197 = arith.constant 0 : i32
      %dma_wait3A_198 = tpu.memref_slice %arg10[%dma_wait3A_196, %dma_wait3A_197] : memref<1664x32xf32, #tpu.memory_space<vmem>> -> memref<128x32xf32, #tpu.memory_space<vmem>>
      %dma_wait3A_199 = arith.constant 0 : i32
      %dma_wait3A_200 = tpu.memref_slice %arg8[%dma_wait3A_195, %dma_wait3A_199] : memref<13x128xi32, #tpu.memory_space<vmem>> -> memref<1x128xi32, #tpu.memory_space<vmem>>
      %dma_wait3A_201 = tpu.memref_squeeze %dma_wait3A_200 : memref<1x128xi32, #tpu.memory_space<vmem>> -> memref<128xi32, #tpu.memory_space<vmem>>
      %dma_wait3A_202 = arith.constant 0 : i32
      %dma_wait3A_203 = arith.constant 0 : i32
      %dma_wait3A_204 = tpu.memref_slice %arg4[%dma_wait3A_202, %dma_wait3A_203] : memref<2600000x32xf32, #tpu.memory_space<hbm>> -> memref<2600000x32xf32, #tpu.memory_space<hbm>>
      tpu.wait_indirect_dma semaphore(%arg13 : memref<!tpu.dma_semaphore, #tpu.memory_space<semaphore_mem>>) src(%dma_wait3A_204 : memref<2600000x32xf32, #tpu.memory_space<hbm>>) dst(%dma_wait3A_198 : memref<128x32xf32, #tpu.memory_space<vmem>>)
      %dma_wait3A_205 = arith.constant 5 : i32
      %dma_wait3A_206 = arith.constant 640 : i32
      %dma_wait3A_207 = arith.constant 0 : i32
      %dma_wait3A_208 = tpu.memref_slice %arg10[%dma_wait3A_206, %dma_wait3A_207] : memref<1664x32xf32, #tpu.memory_space<vmem>> -> memref<128x32xf32, #tpu.memory_space<vmem>>
      %dma_wait3A_209 = arith.constant 0 : i32
      %dma_wait3A_210 = tpu.memref_slice %arg8[%dma_wait3A_205, %dma_wait3A_209] : memref<13x128xi32, #tpu.memory_space<vmem>> -> memref<1x128xi32, #tpu.memory_space<vmem>>
      %dma_wait3A_211 = tpu.memref_squeeze %dma_wait3A_210 : memref<1x128xi32, #tpu.memory_space<vmem>> -> memref<128xi32, #tpu.memory_space<vmem>>
      %dma_wait3A_212 = arith.constant 0 : i32
      %dma_wait3A_213 = arith.constant 0 : i32
      %dma_wait3A_214 = tpu.memref_slice %arg4[%dma_wait3A_212, %dma_wait3A_213] : memref<2600000x32xf32, #tpu.memory_space<hbm>> -> memref<2600000x32xf32, #tpu.memory_space<hbm>>
      tpu.wait_indirect_dma semaphore(%arg13 : memref<!tpu.dma_semaphore, #tpu.memory_space<semaphore_mem>>) src(%dma_wait3A_214 : memref<2600000x32xf32, #tpu.memory_space<hbm>>) dst(%dma_wait3A_208 : memref<128x32xf32, #tpu.memory_space<vmem>>)
      %dma_wait3A_215 = arith.constant 6 : i32
      %dma_wait3A_216 = arith.constant 768 : i32
      %dma_wait3A_217 = arith.constant 0 : i32
      %dma_wait3A_218 = tpu.memref_slice %arg10[%dma_wait3A_216, %dma_wait3A_217] : memref<1664x32xf32, #tpu.memory_space<vmem>> -> memref<128x32xf32, #tpu.memory_space<vmem>>
      %dma_wait3A_219 = arith.constant 0 : i32
      %dma_wait3A_220 = tpu.memref_slice %arg8[%dma_wait3A_215, %dma_wait3A_219] : memref<13x128xi32, #tpu.memory_space<vmem>> -> memref<1x128xi32, #tpu.memory_space<vmem>>
      %dma_wait3A_221 = tpu.memref_squeeze %dma_wait3A_220 : memref<1x128xi32, #tpu.memory_space<vmem>> -> memref<128xi32, #tpu.memory_space<vmem>>
      %dma_wait3A_222 = arith.constant 0 : i32
      %dma_wait3A_223 = arith.constant 0 : i32
      %dma_wait3A_224 = tpu.memref_slice %arg4[%dma_wait3A_222, %dma_wait3A_223] : memref<2600000x32xf32, #tpu.memory_space<hbm>> -> memref<2600000x32xf32, #tpu.memory_space<hbm>>
      tpu.wait_indirect_dma semaphore(%arg13 : memref<!tpu.dma_semaphore, #tpu.memory_space<semaphore_mem>>) src(%dma_wait3A_224 : memref<2600000x32xf32, #tpu.memory_space<hbm>>) dst(%dma_wait3A_218 : memref<128x32xf32, #tpu.memory_space<vmem>>)
      %dma_wait3A_225 = arith.constant 7 : i32
      %dma_wait3A_226 = arith.constant 896 : i32
      %dma_wait3A_227 = arith.constant 0 : i32
      %dma_wait3A_228 = tpu.memref_slice %arg10[%dma_wait3A_226, %dma_wait3A_227] : memref<1664x32xf32, #tpu.memory_space<vmem>> -> memref<128x32xf32, #tpu.memory_space<vmem>>
      %dma_wait3A_229 = arith.constant 0 : i32
      %dma_wait3A_230 = tpu.memref_slice %arg8[%dma_wait3A_225, %dma_wait3A_229] : memref<13x128xi32, #tpu.memory_space<vmem>> -> memref<1x128xi32, #tpu.memory_space<vmem>>
      %dma_wait3A_231 = tpu.memref_squeeze %dma_wait3A_230 : memref<1x128xi32, #tpu.memory_space<vmem>> -> memref<128xi32, #tpu.memory_space<vmem>>
      %dma_wait3A_232 = arith.constant 0 : i32
      %dma_wait3A_233 = arith.constant 0 : i32
      %dma_wait3A_234 = tpu.memref_slice %arg4[%dma_wait3A_232, %dma_wait3A_233] : memref<2600000x32xf32, #tpu.memory_space<hbm>> -> memref<2600000x32xf32, #tpu.memory_space<hbm>>
      tpu.wait_indirect_dma semaphore(%arg13 : memref<!tpu.dma_semaphore, #tpu.memory_space<semaphore_mem>>) src(%dma_wait3A_234 : memref<2600000x32xf32, #tpu.memory_space<hbm>>) dst(%dma_wait3A_228 : memref<128x32xf32, #tpu.memory_space<vmem>>)
      %dma_wait3A_235 = arith.constant 8 : i32
      %dma_wait3A_236 = arith.constant 1024 : i32
      %dma_wait3A_237 = arith.constant 0 : i32
      %dma_wait3A_238 = tpu.memref_slice %arg10[%dma_wait3A_236, %dma_wait3A_237] : memref<1664x32xf32, #tpu.memory_space<vmem>> -> memref<128x32xf32, #tpu.memory_space<vmem>>
      %dma_wait3A_239 = arith.constant 0 : i32
      %dma_wait3A_240 = tpu.memref_slice %arg8[%dma_wait3A_235, %dma_wait3A_239] : memref<13x128xi32, #tpu.memory_space<vmem>> -> memref<1x128xi32, #tpu.memory_space<vmem>>
      %dma_wait3A_241 = tpu.memref_squeeze %dma_wait3A_240 : memref<1x128xi32, #tpu.memory_space<vmem>> -> memref<128xi32, #tpu.memory_space<vmem>>
      %dma_wait3A_242 = arith.constant 0 : i32
      %dma_wait3A_243 = arith.constant 0 : i32
      %dma_wait3A_244 = tpu.memref_slice %arg4[%dma_wait3A_242, %dma_wait3A_243] : memref<2600000x32xf32, #tpu.memory_space<hbm>> -> memref<2600000x32xf32, #tpu.memory_space<hbm>>
      tpu.wait_indirect_dma semaphore(%arg13 : memref<!tpu.dma_semaphore, #tpu.memory_space<semaphore_mem>>) src(%dma_wait3A_244 : memref<2600000x32xf32, #tpu.memory_space<hbm>>) dst(%dma_wait3A_238 : memref<128x32xf32, #tpu.memory_space<vmem>>)
      %dma_wait3A_245 = arith.constant 9 : i32
      %dma_wait3A_246 = arith.constant 1152 : i32
      %dma_wait3A_247 = arith.constant 0 : i32
      %dma_wait3A_248 = tpu.memref_slice %arg10[%dma_wait3A_246, %dma_wait3A_247] : memref<1664x32xf32, #tpu.memory_space<vmem>> -> memref<128x32xf32, #tpu.memory_space<vmem>>
      %dma_wait3A_249 = arith.constant 0 : i32
      %dma_wait3A_250 = tpu.memref_slice %arg8[%dma_wait3A_245, %dma_wait3A_249] : memref<13x128xi32, #tpu.memory_space<vmem>> -> memref<1x128xi32, #tpu.memory_space<vmem>>
      %dma_wait3A_251 = tpu.memref_squeeze %dma_wait3A_250 : memref<1x128xi32, #tpu.memory_space<vmem>> -> memref<128xi32, #tpu.memory_space<vmem>>
      %dma_wait3A_252 = arith.constant 0 : i32
      %dma_wait3A_253 = arith.constant 0 : i32
      %dma_wait3A_254 = tpu.memref_slice %arg4[%dma_wait3A_252, %dma_wait3A_253] : memref<2600000x32xf32, #tpu.memory_space<hbm>> -> memref<2600000x32xf32, #tpu.memory_space<hbm>>
      tpu.wait_indirect_dma semaphore(%arg13 : memref<!tpu.dma_semaphore, #tpu.memory_space<semaphore_mem>>) src(%dma_wait3A_254 : memref<2600000x32xf32, #tpu.memory_space<hbm>>) dst(%dma_wait3A_248 : memref<128x32xf32, #tpu.memory_space<vmem>>)
      %dma_wait3A_255 = arith.constant 10 : i32
      %dma_wait3A_256 = arith.constant 1280 : i32
      %dma_wait3A_257 = arith.constant 0 : i32
      %dma_wait3A_258 = tpu.memref_slice %arg10[%dma_wait3A_256, %dma_wait3A_257] : memref<1664x32xf32, #tpu.memory_space<vmem>> -> memref<128x32xf32, #tpu.memory_space<vmem>>
      %dma_wait3A_259 = arith.constant 0 : i32
      %dma_wait3A_260 = tpu.memref_slice %arg8[%dma_wait3A_255, %dma_wait3A_259] : memref<13x128xi32, #tpu.memory_space<vmem>> -> memref<1x128xi32, #tpu.memory_space<vmem>>
      %dma_wait3A_261 = tpu.memref_squeeze %dma_wait3A_260 : memref<1x128xi32, #tpu.memory_space<vmem>> -> memref<128xi32, #tpu.memory_space<vmem>>
      %dma_wait3A_262 = arith.constant 0 : i32
      %dma_wait3A_263 = arith.constant 0 : i32
      %dma_wait3A_264 = tpu.memref_slice %arg4[%dma_wait3A_262, %dma_wait3A_263] : memref<2600000x32xf32, #tpu.memory_space<hbm>> -> memref<2600000x32xf32, #tpu.memory_space<hbm>>
      tpu.wait_indirect_dma semaphore(%arg13 : memref<!tpu.dma_semaphore, #tpu.memory_space<semaphore_mem>>) src(%dma_wait3A_264 : memref<2600000x32xf32, #tpu.memory_space<hbm>>) dst(%dma_wait3A_258 : memref<128x32xf32, #tpu.memory_space<vmem>>)
      %dma_wait3A_265 = arith.constant 11 : i32
      %dma_wait3A_266 = arith.constant 1408 : i32
      %dma_wait3A_267 = arith.constant 0 : i32
      %dma_wait3A_268 = tpu.memref_slice %arg10[%dma_wait3A_266, %dma_wait3A_267] : memref<1664x32xf32, #tpu.memory_space<vmem>> -> memref<128x32xf32, #tpu.memory_space<vmem>>
      %dma_wait3A_269 = arith.constant 0 : i32
      %dma_wait3A_270 = tpu.memref_slice %arg8[%dma_wait3A_265, %dma_wait3A_269] : memref<13x128xi32, #tpu.memory_space<vmem>> -> memref<1x128xi32, #tpu.memory_space<vmem>>
      %dma_wait3A_271 = tpu.memref_squeeze %dma_wait3A_270 : memref<1x128xi32, #tpu.memory_space<vmem>> -> memref<128xi32, #tpu.memory_space<vmem>>
      %dma_wait3A_272 = arith.constant 0 : i32
      %dma_wait3A_273 = arith.constant 0 : i32
      %dma_wait3A_274 = tpu.memref_slice %arg4[%dma_wait3A_272, %dma_wait3A_273] : memref<2600000x32xf32, #tpu.memory_space<hbm>> -> memref<2600000x32xf32, #tpu.memory_space<hbm>>
      tpu.wait_indirect_dma semaphore(%arg13 : memref<!tpu.dma_semaphore, #tpu.memory_space<semaphore_mem>>) src(%dma_wait3A_274 : memref<2600000x32xf32, #tpu.memory_space<hbm>>) dst(%dma_wait3A_268 : memref<128x32xf32, #tpu.memory_space<vmem>>)
      %dma_wait3A_275 = arith.constant 12 : i32
      %dma_wait3A_276 = arith.constant 1536 : i32
      %dma_wait3A_277 = arith.constant 0 : i32
      %dma_wait3A_278 = tpu.memref_slice %arg10[%dma_wait3A_276, %dma_wait3A_277] : memref<1664x32xf32, #tpu.memory_space<vmem>> -> memref<128x32xf32, #tpu.memory_space<vmem>>
      %dma_wait3A_279 = arith.constant 0 : i32
      %dma_wait3A_280 = tpu.memref_slice %arg8[%dma_wait3A_275, %dma_wait3A_279] : memref<13x128xi32, #tpu.memory_space<vmem>> -> memref<1x128xi32, #tpu.memory_space<vmem>>
      %dma_wait3A_281 = tpu.memref_squeeze %dma_wait3A_280 : memref<1x128xi32, #tpu.memory_space<vmem>> -> memref<128xi32, #tpu.memory_space<vmem>>
      %dma_wait3A_282 = arith.constant 0 : i32
      %dma_wait3A_283 = arith.constant 0 : i32
      %dma_wait3A_284 = tpu.memref_slice %arg4[%dma_wait3A_282, %dma_wait3A_283] : memref<2600000x32xf32, #tpu.memory_space<hbm>> -> memref<2600000x32xf32, #tpu.memory_space<hbm>>
      tpu.wait_indirect_dma semaphore(%arg13 : memref<!tpu.dma_semaphore, #tpu.memory_space<semaphore_mem>>) src(%dma_wait3A_284 : memref<2600000x32xf32, #tpu.memory_space<hbm>>) dst(%dma_wait3A_278 : memref<128x32xf32, #tpu.memory_space<vmem>>)
      %scan3A_285 = arith.constant 0 : i32
      %scan3A_286 = arith.constant 0 : i32
      %scan3A_287 = arith.constant 64 : i32
      %scan3A_288 = arith.addi %scan3A_286, %scan3A_287 : i32
      %scan3A_289 = arith.constant 1 : i32
      %scan3A_290 = scf.for %scan3A_295 = %scan3A_286 to %scan3A_288 step %scan3A_289 iter_args(%scan3A_296 = %scan3A_285) -> (i32)  : i32 {
        %mul3A_297 = arith.constant 845 : i32
        %mul3A_298 = arith.muli %scan3A_295, %mul3A_297 : i32
        %mul3A_299 = arith.constant 26 : i32
        %mul3A_300 = arith.muli %scan3A_295, %mul3A_299 : i32
        %add3A_301 = arith.constant 0 : i32
        %add3A_302 = arith.addi %mul3A_300, %add3A_301 : i32
        %get3A = arith.index_cast %add3A_302 : i32 to index
        %get3A_303 = arith.constant 0 : index
        %get3A_304 = tpu.vector_load %arg10[%get3A, %get3A_303] {strides = array<i32>} : memref<1664x32xf32, #tpu.memory_space<vmem>>, vector<16xf32>,
        %add3A_305 = arith.constant 0 : i32
        %add3A_306 = arith.addi %mul3A_300, %add3A_305 : i32
        %get3A_307 = arith.index_cast %add3A_306 : i32 to index
        %get3A_308 = arith.constant 16 : index
        %get3A_309 = tpu.vector_load %arg10[%get3A_307, %get3A_308] {strides = array<i32>} : memref<1664x32xf32, #tpu.memory_space<vmem>>, vector<16xf32>,
        %add3A_310 = arith.constant 0 : i32
        %add3A_311 = arith.addi %mul3A_298, %add3A_310 : i32
        %add3A_312 = vector.broadcast %add3A_311 : i32 to vector<16xi32>
        %add3A_313 = arith.addi %add3A_312, %iota3A : vector<16xi32>
        tpu.vector_store_idx %arg12[%add3A_313], %get3A_304 : memref<54080xf32, #tpu.memory_space<vmem>>[vector<16xi32>], vector<16xf32>,
        %add3A_314 = arith.constant 0 : i32
        %add3A_315 = arith.addi %mul3A_298, %add3A_314 : i32
        %add3A_316 = arith.constant 16 : i32
        %add3A_317 = arith.addi %add3A_315, %add3A_316 : i32
        %add3A_318 = vector.broadcast %add3A_317 : i32 to vector<16xi32>
        %add3A_319 = arith.addi %add3A_318, %iota3A : vector<16xi32>
        tpu.vector_store_idx %arg12[%add3A_319], %get3A_309 : memref<54080xf32, #tpu.memory_space<vmem>>[vector<16xi32>], vector<16xf32>,
        %add3A_320 = arith.constant 1 : i32
        %add3A_321 = arith.addi %mul3A_300, %add3A_320 : i32
        %get3A_322 = arith.index_cast %add3A_321 : i32 to index
        %get3A_323 = arith.constant 0 : index
        %get3A_324 = tpu.vector_load %arg10[%get3A_322, %get3A_323] {strides = array<i32>} : memref<1664x32xf32, #tpu.memory_space<vmem>>, vector<16xf32>,
        %add3A_325 = arith.constant 1 : i32
        %add3A_326 = arith.addi %mul3A_300, %add3A_325 : i32
        %get3A_327 = arith.index_cast %add3A_326 : i32 to index
        %get3A_328 = arith.constant 16 : index
        %get3A_329 = tpu.vector_load %arg10[%get3A_327, %get3A_328] {strides = array<i32>} : memref<1664x32xf32, #tpu.memory_space<vmem>>, vector<16xf32>,
        %add3A_330 = arith.constant 32 : i32
        %add3A_331 = arith.addi %mul3A_298, %add3A_330 : i32
        %add3A_332 = vector.broadcast %add3A_331 : i32 to vector<16xi32>
        %add3A_333 = arith.addi %add3A_332, %iota3A : vector<16xi32>
        tpu.vector_store_idx %arg12[%add3A_333], %get3A_324 : memref<54080xf32, #tpu.memory_space<vmem>>[vector<16xi32>], vector<16xf32>,
        %add3A_334 = arith.constant 32 : i32
        %add3A_335 = arith.addi %mul3A_298, %add3A_334 : i32
        %add3A_336 = arith.constant 16 : i32
        %add3A_337 = arith.addi %add3A_335, %add3A_336 : i32
        %add3A_338 = vector.broadcast %add3A_337 : i32 to vector<16xi32>
        %add3A_339 = arith.addi %add3A_338, %iota3A : vector<16xi32>
        tpu.vector_store_idx %arg12[%add3A_339], %get3A_329 : memref<54080xf32, #tpu.memory_space<vmem>>[vector<16xi32>], vector<16xf32>,
        %add3A_340 = arith.constant 2 : i32
        %add3A_341 = arith.addi %mul3A_300, %add3A_340 : i32
        %get3A_342 = arith.index_cast %add3A_341 : i32 to index
        %get3A_343 = arith.constant 0 : index
        %get3A_344 = tpu.vector_load %arg10[%get3A_342, %get3A_343] {strides = array<i32>} : memref<1664x32xf32, #tpu.memory_space<vmem>>, vector<16xf32>,
        %add3A_345 = arith.constant 2 : i32
        %add3A_346 = arith.addi %mul3A_300, %add3A_345 : i32
        %get3A_347 = arith.index_cast %add3A_346 : i32 to index
        %get3A_348 = arith.constant 16 : index
        %get3A_349 = tpu.vector_load %arg10[%get3A_347, %get3A_348] {strides = array<i32>} : memref<1664x32xf32, #tpu.memory_space<vmem>>, vector<16xf32>,
        %add3A_350 = arith.constant 64 : i32
        %add3A_351 = arith.addi %mul3A_298, %add3A_350 : i32
        %add3A_352 = vector.broadcast %add3A_351 : i32 to vector<16xi32>
        %add3A_353 = arith.addi %add3A_352, %iota3A : vector<16xi32>
        tpu.vector_store_idx %arg12[%add3A_353], %get3A_344 : memref<54080xf32, #tpu.memory_space<vmem>>[vector<16xi32>], vector<16xf32>,
        %add3A_354 = arith.constant 64 : i32
        %add3A_355 = arith.addi %mul3A_298, %add3A_354 : i32
        %add3A_356 = arith.constant 16 : i32
        %add3A_357 = arith.addi %add3A_355, %add3A_356 : i32
        %add3A_358 = vector.broadcast %add3A_357 : i32 to vector<16xi32>
        %add3A_359 = arith.addi %add3A_358, %iota3A : vector<16xi32>
        tpu.vector_store_idx %arg12[%add3A_359], %get3A_349 : memref<54080xf32, #tpu.memory_space<vmem>>[vector<16xi32>], vector<16xf32>,
        %add3A_360 = arith.constant 3 : i32
        %add3A_361 = arith.addi %mul3A_300, %add3A_360 : i32
        %get3A_362 = arith.index_cast %add3A_361 : i32 to index
        %get3A_363 = arith.constant 0 : index
        %get3A_364 = tpu.vector_load %arg10[%get3A_362, %get3A_363] {strides = array<i32>} : memref<1664x32xf32, #tpu.memory_space<vmem>>, vector<16xf32>,
        %add3A_365 = arith.constant 3 : i32
        %add3A_366 = arith.addi %mul3A_300, %add3A_365 : i32
        %get3A_367 = arith.index_cast %add3A_366 : i32 to index
        %get3A_368 = arith.constant 16 : index
        %get3A_369 = tpu.vector_load %arg10[%get3A_367, %get3A_368] {strides = array<i32>} : memref<1664x32xf32, #tpu.memory_space<vmem>>, vector<16xf32>,
        %add3A_370 = arith.constant 96 : i32
        %add3A_371 = arith.addi %mul3A_298, %add3A_370 : i32
        %add3A_372 = vector.broadcast %add3A_371 : i32 to vector<16xi32>
        %add3A_373 = arith.addi %add3A_372, %iota3A : vector<16xi32>
        tpu.vector_store_idx %arg12[%add3A_373], %get3A_364 : memref<54080xf32, #tpu.memory_space<vmem>>[vector<16xi32>], vector<16xf32>,
        %add3A_374 = arith.constant 96 : i32
        %add3A_375 = arith.addi %mul3A_298, %add3A_374 : i32
        %add3A_376 = arith.constant 16 : i32
        %add3A_377 = arith.addi %add3A_375, %add3A_376 : i32
        %add3A_378 = vector.broadcast %add3A_377 : i32 to vector<16xi32>
        %add3A_379 = arith.addi %add3A_378, %iota3A : vector<16xi32>
        tpu.vector_store_idx %arg12[%add3A_379], %get3A_369 : memref<54080xf32, #tpu.memory_space<vmem>>[vector<16xi32>], vector<16xf32>,
        %add3A_380 = arith.constant 4 : i32
        %add3A_381 = arith.addi %mul3A_300, %add3A_380 : i32
        %get3A_382 = arith.index_cast %add3A_381 : i32 to index
        %get3A_383 = arith.constant 0 : index
        %get3A_384 = tpu.vector_load %arg10[%get3A_382, %get3A_383] {strides = array<i32>} : memref<1664x32xf32, #tpu.memory_space<vmem>>, vector<16xf32>,
        %add3A_385 = arith.constant 4 : i32
        %add3A_386 = arith.addi %mul3A_300, %add3A_385 : i32
        %get3A_387 = arith.index_cast %add3A_386 : i32 to index
        %get3A_388 = arith.constant 16 : index
        %get3A_389 = tpu.vector_load %arg10[%get3A_387, %get3A_388] {strides = array<i32>} : memref<1664x32xf32, #tpu.memory_space<vmem>>, vector<16xf32>,
        %add3A_390 = arith.constant 128 : i32
        %add3A_391 = arith.addi %mul3A_298, %add3A_390 : i32
        %add3A_392 = vector.broadcast %add3A_391 : i32 to vector<16xi32>
        %add3A_393 = arith.addi %add3A_392, %iota3A : vector<16xi32>
        tpu.vector_store_idx %arg12[%add3A_393], %get3A_384 : memref<54080xf32, #tpu.memory_space<vmem>>[vector<16xi32>], vector<16xf32>,
        %add3A_394 = arith.constant 128 : i32
        %add3A_395 = arith.addi %mul3A_298, %add3A_394 : i32
        %add3A_396 = arith.constant 16 : i32
        %add3A_397 = arith.addi %add3A_395, %add3A_396 : i32
        %add3A_398 = vector.broadcast %add3A_397 : i32 to vector<16xi32>
        %add3A_399 = arith.addi %add3A_398, %iota3A : vector<16xi32>
        tpu.vector_store_idx %arg12[%add3A_399], %get3A_389 : memref<54080xf32, #tpu.memory_space<vmem>>[vector<16xi32>], vector<16xf32>,
        %add3A_400 = arith.constant 5 : i32
        %add3A_401 = arith.addi %mul3A_300, %add3A_400 : i32
        %get3A_402 = arith.index_cast %add3A_401 : i32 to index
        %get3A_403 = arith.constant 0 : index
        %get3A_404 = tpu.vector_load %arg10[%get3A_402, %get3A_403] {strides = array<i32>} : memref<1664x32xf32, #tpu.memory_space<vmem>>, vector<16xf32>,
        %add3A_405 = arith.constant 5 : i32
        %add3A_406 = arith.addi %mul3A_300, %add3A_405 : i32
        %get3A_407 = arith.index_cast %add3A_406 : i32 to index
        %get3A_408 = arith.constant 16 : index
        %get3A_409 = tpu.vector_load %arg10[%get3A_407, %get3A_408] {strides = array<i32>} : memref<1664x32xf32, #tpu.memory_space<vmem>>, vector<16xf32>,
        %add3A_410 = arith.constant 160 : i32
        %add3A_411 = arith.addi %mul3A_298, %add3A_410 : i32
        %add3A_412 = vector.broadcast %add3A_411 : i32 to vector<16xi32>
        %add3A_413 = arith.addi %add3A_412, %iota3A : vector<16xi32>
        tpu.vector_store_idx %arg12[%add3A_413], %get3A_404 : memref<54080xf32, #tpu.memory_space<vmem>>[vector<16xi32>], vector<16xf32>,
        %add3A_414 = arith.constant 160 : i32
        %add3A_415 = arith.addi %mul3A_298, %add3A_414 : i32
        %add3A_416 = arith.constant 16 : i32
        %add3A_417 = arith.addi %add3A_415, %add3A_416 : i32
        %add3A_418 = vector.broadcast %add3A_417 : i32 to vector<16xi32>
        %add3A_419 = arith.addi %add3A_418, %iota3A : vector<16xi32>
        tpu.vector_store_idx %arg12[%add3A_419], %get3A_409 : memref<54080xf32, #tpu.memory_space<vmem>>[vector<16xi32>], vector<16xf32>,
        %add3A_420 = arith.constant 6 : i32
        %add3A_421 = arith.addi %mul3A_300, %add3A_420 : i32
        %get3A_422 = arith.index_cast %add3A_421 : i32 to index
        %get3A_423 = arith.constant 0 : index
        %get3A_424 = tpu.vector_load %arg10[%get3A_422, %get3A_423] {strides = array<i32>} : memref<1664x32xf32, #tpu.memory_space<vmem>>, vector<16xf32>,
        %add3A_425 = arith.constant 6 : i32
        %add3A_426 = arith.addi %mul3A_300, %add3A_425 : i32
        %get3A_427 = arith.index_cast %add3A_426 : i32 to index
        %get3A_428 = arith.constant 16 : index
        %get3A_429 = tpu.vector_load %arg10[%get3A_427, %get3A_428] {strides = array<i32>} : memref<1664x32xf32, #tpu.memory_space<vmem>>, vector<16xf32>,
        %add3A_430 = arith.constant 192 : i32
        %add3A_431 = arith.addi %mul3A_298, %add3A_430 : i32
        %add3A_432 = vector.broadcast %add3A_431 : i32 to vector<16xi32>
        %add3A_433 = arith.addi %add3A_432, %iota3A : vector<16xi32>
        tpu.vector_store_idx %arg12[%add3A_433], %get3A_424 : memref<54080xf32, #tpu.memory_space<vmem>>[vector<16xi32>], vector<16xf32>,
        %add3A_434 = arith.constant 192 : i32
        %add3A_435 = arith.addi %mul3A_298, %add3A_434 : i32
        %add3A_436 = arith.constant 16 : i32
        %add3A_437 = arith.addi %add3A_435, %add3A_436 : i32
        %add3A_438 = vector.broadcast %add3A_437 : i32 to vector<16xi32>
        %add3A_439 = arith.addi %add3A_438, %iota3A : vector<16xi32>
        tpu.vector_store_idx %arg12[%add3A_439], %get3A_429 : memref<54080xf32, #tpu.memory_space<vmem>>[vector<16xi32>], vector<16xf32>,
        %add3A_440 = arith.constant 7 : i32
        %add3A_441 = arith.addi %mul3A_300, %add3A_440 : i32
        %get3A_442 = arith.index_cast %add3A_441 : i32 to index
        %get3A_443 = arith.constant 0 : index
        %get3A_444 = tpu.vector_load %arg10[%get3A_442, %get3A_443] {strides = array<i32>} : memref<1664x32xf32, #tpu.memory_space<vmem>>, vector<16xf32>,
        %add3A_445 = arith.constant 7 : i32
        %add3A_446 = arith.addi %mul3A_300, %add3A_445 : i32
        %get3A_447 = arith.index_cast %add3A_446 : i32 to index
        %get3A_448 = arith.constant 16 : index
        %get3A_449 = tpu.vector_load %arg10[%get3A_447, %get3A_448] {strides = array<i32>} : memref<1664x32xf32, #tpu.memory_space<vmem>>, vector<16xf32>,
        %add3A_450 = arith.constant 224 : i32
        %add3A_451 = arith.addi %mul3A_298, %add3A_450 : i32
        %add3A_452 = vector.broadcast %add3A_451 : i32 to vector<16xi32>
        %add3A_453 = arith.addi %add3A_452, %iota3A : vector<16xi32>
        tpu.vector_store_idx %arg12[%add3A_453], %get3A_444 : memref<54080xf32, #tpu.memory_space<vmem>>[vector<16xi32>], vector<16xf32>,
        %add3A_454 = arith.constant 224 : i32
        %add3A_455 = arith.addi %mul3A_298, %add3A_454 : i32
        %add3A_456 = arith.constant 16 : i32
        %add3A_457 = arith.addi %add3A_455, %add3A_456 : i32
        %add3A_458 = vector.broadcast %add3A_457 : i32 to vector<16xi32>
        %add3A_459 = arith.addi %add3A_458, %iota3A : vector<16xi32>
        tpu.vector_store_idx %arg12[%add3A_459], %get3A_449 : memref<54080xf32, #tpu.memory_space<vmem>>[vector<16xi32>], vector<16xf32>,
        %add3A_460 = arith.constant 8 : i32
        %add3A_461 = arith.addi %mul3A_300, %add3A_460 : i32
        %get3A_462 = arith.index_cast %add3A_461 : i32 to index
        %get3A_463 = arith.constant 0 : index
        %get3A_464 = tpu.vector_load %arg10[%get3A_462, %get3A_463] {strides = array<i32>} : memref<1664x32xf32, #tpu.memory_space<vmem>>, vector<16xf32>,
        %add3A_465 = arith.constant 8 : i32
        %add3A_466 = arith.addi %mul3A_300, %add3A_465 : i32
        %get3A_467 = arith.index_cast %add3A_466 : i32 to index
        %get3A_468 = arith.constant 16 : index
        %get3A_469 = tpu.vector_load %arg10[%get3A_467, %get3A_468] {strides = array<i32>} : memref<1664x32xf32, #tpu.memory_space<vmem>>, vector<16xf32>,
        %add3A_470 = arith.constant 256 : i32
        %add3A_471 = arith.addi %mul3A_298, %add3A_470 : i32
        %add3A_472 = vector.broadcast %add3A_471 : i32 to vector<16xi32>
        %add3A_473 = arith.addi %add3A_472, %iota3A : vector<16xi32>
        tpu.vector_store_idx %arg12[%add3A_473], %get3A_464 : memref<54080xf32, #tpu.memory_space<vmem>>[vector<16xi32>], vector<16xf32>,
        %add3A_474 = arith.constant 256 : i32
        %add3A_475 = arith.addi %mul3A_298, %add3A_474 : i32
        %add3A_476 = arith.constant 16 : i32
        %add3A_477 = arith.addi %add3A_475, %add3A_476 : i32
        %add3A_478 = vector.broadcast %add3A_477 : i32 to vector<16xi32>
        %add3A_479 = arith.addi %add3A_478, %iota3A : vector<16xi32>
        tpu.vector_store_idx %arg12[%add3A_479], %get3A_469 : memref<54080xf32, #tpu.memory_space<vmem>>[vector<16xi32>], vector<16xf32>,
        %add3A_480 = arith.constant 9 : i32
        %add3A_481 = arith.addi %mul3A_300, %add3A_480 : i32
        %get3A_482 = arith.index_cast %add3A_481 : i32 to index
        %get3A_483 = arith.constant 0 : index
        %get3A_484 = tpu.vector_load %arg10[%get3A_482, %get3A_483] {strides = array<i32>} : memref<1664x32xf32, #tpu.memory_space<vmem>>, vector<16xf32>,
        %add3A_485 = arith.constant 9 : i32
        %add3A_486 = arith.addi %mul3A_300, %add3A_485 : i32
        %get3A_487 = arith.index_cast %add3A_486 : i32 to index
        %get3A_488 = arith.constant 16 : index
        %get3A_489 = tpu.vector_load %arg10[%get3A_487, %get3A_488] {strides = array<i32>} : memref<1664x32xf32, #tpu.memory_space<vmem>>, vector<16xf32>,
        %add3A_490 = arith.constant 288 : i32
        %add3A_491 = arith.addi %mul3A_298, %add3A_490 : i32
        %add3A_492 = vector.broadcast %add3A_491 : i32 to vector<16xi32>
        %add3A_493 = arith.addi %add3A_492, %iota3A : vector<16xi32>
        tpu.vector_store_idx %arg12[%add3A_493], %get3A_484 : memref<54080xf32, #tpu.memory_space<vmem>>[vector<16xi32>], vector<16xf32>,
        %add3A_494 = arith.constant 288 : i32
        %add3A_495 = arith.addi %mul3A_298, %add3A_494 : i32
        %add3A_496 = arith.constant 16 : i32
        %add3A_497 = arith.addi %add3A_495, %add3A_496 : i32
        %add3A_498 = vector.broadcast %add3A_497 : i32 to vector<16xi32>
        %add3A_499 = arith.addi %add3A_498, %iota3A : vector<16xi32>
        tpu.vector_store_idx %arg12[%add3A_499], %get3A_489 : memref<54080xf32, #tpu.memory_space<vmem>>[vector<16xi32>], vector<16xf32>,
        %add3A_500 = arith.constant 10 : i32
        %add3A_501 = arith.addi %mul3A_300, %add3A_500 : i32
        %get3A_502 = arith.index_cast %add3A_501 : i32 to index
        %get3A_503 = arith.constant 0 : index
        %get3A_504 = tpu.vector_load %arg10[%get3A_502, %get3A_503] {strides = array<i32>} : memref<1664x32xf32, #tpu.memory_space<vmem>>, vector<16xf32>,
        %add3A_505 = arith.constant 10 : i32
        %add3A_506 = arith.addi %mul3A_300, %add3A_505 : i32
        %get3A_507 = arith.index_cast %add3A_506 : i32 to index
        %get3A_508 = arith.constant 16 : index
        %get3A_509 = tpu.vector_load %arg10[%get3A_507, %get3A_508] {strides = array<i32>} : memref<1664x32xf32, #tpu.memory_space<vmem>>, vector<16xf32>,
        %add3A_510 = arith.constant 320 : i32
        %add3A_511 = arith.addi %mul3A_298, %add3A_510 : i32
        %add3A_512 = vector.broadcast %add3A_511 : i32 to vector<16xi32>
        %add3A_513 = arith.addi %add3A_512, %iota3A : vector<16xi32>
        tpu.vector_store_idx %arg12[%add3A_513], %get3A_504 : memref<54080xf32, #tpu.memory_space<vmem>>[vector<16xi32>], vector<16xf32>,
        %add3A_514 = arith.constant 320 : i32
        %add3A_515 = arith.addi %mul3A_298, %add3A_514 : i32
        %add3A_516 = arith.constant 16 : i32
        %add3A_517 = arith.addi %add3A_515, %add3A_516 : i32
        %add3A_518 = vector.broadcast %add3A_517 : i32 to vector<16xi32>
        %add3A_519 = arith.addi %add3A_518, %iota3A : vector<16xi32>
        tpu.vector_store_idx %arg12[%add3A_519], %get3A_509 : memref<54080xf32, #tpu.memory_space<vmem>>[vector<16xi32>], vector<16xf32>,
        %add3A_520 = arith.constant 11 : i32
        %add3A_521 = arith.addi %mul3A_300, %add3A_520 : i32
        %get3A_522 = arith.index_cast %add3A_521 : i32 to index
        %get3A_523 = arith.constant 0 : index
        %get3A_524 = tpu.vector_load %arg10[%get3A_522, %get3A_523] {strides = array<i32>} : memref<1664x32xf32, #tpu.memory_space<vmem>>, vector<16xf32>,
        %add3A_525 = arith.constant 11 : i32
        %add3A_526 = arith.addi %mul3A_300, %add3A_525 : i32
        %get3A_527 = arith.index_cast %add3A_526 : i32 to index
        %get3A_528 = arith.constant 16 : index
        %get3A_529 = tpu.vector_load %arg10[%get3A_527, %get3A_528] {strides = array<i32>} : memref<1664x32xf32, #tpu.memory_space<vmem>>, vector<16xf32>,
        %add3A_530 = arith.constant 352 : i32
        %add3A_531 = arith.addi %mul3A_298, %add3A_530 : i32
        %add3A_532 = vector.broadcast %add3A_531 : i32 to vector<16xi32>
        %add3A_533 = arith.addi %add3A_532, %iota3A : vector<16xi32>
        tpu.vector_store_idx %arg12[%add3A_533], %get3A_524 : memref<54080xf32, #tpu.memory_space<vmem>>[vector<16xi32>], vector<16xf32>,
        %add3A_534 = arith.constant 352 : i32
        %add3A_535 = arith.addi %mul3A_298, %add3A_534 : i32
        %add3A_536 = arith.constant 16 : i32
        %add3A_537 = arith.addi %add3A_535, %add3A_536 : i32
        %add3A_538 = vector.broadcast %add3A_537 : i32 to vector<16xi32>
        %add3A_539 = arith.addi %add3A_538, %iota3A : vector<16xi32>
        tpu.vector_store_idx %arg12[%add3A_539], %get3A_529 : memref<54080xf32, #tpu.memory_space<vmem>>[vector<16xi32>], vector<16xf32>,
        %add3A_540 = arith.constant 12 : i32
        %add3A_541 = arith.addi %mul3A_300, %add3A_540 : i32
        %get3A_542 = arith.index_cast %add3A_541 : i32 to index
        %get3A_543 = arith.constant 0 : index
        %get3A_544 = tpu.vector_load %arg10[%get3A_542, %get3A_543] {strides = array<i32>} : memref<1664x32xf32, #tpu.memory_space<vmem>>, vector<16xf32>,
        %add3A_545 = arith.constant 12 : i32
        %add3A_546 = arith.addi %mul3A_300, %add3A_545 : i32
        %get3A_547 = arith.index_cast %add3A_546 : i32 to index
        %get3A_548 = arith.constant 16 : index
        %get3A_549 = tpu.vector_load %arg10[%get3A_547, %get3A_548] {strides = array<i32>} : memref<1664x32xf32, #tpu.memory_space<vmem>>, vector<16xf32>,
        %add3A_550 = arith.constant 384 : i32
        %add3A_551 = arith.addi %mul3A_298, %add3A_550 : i32
        %add3A_552 = vector.broadcast %add3A_551 : i32 to vector<16xi32>
        %add3A_553 = arith.addi %add3A_552, %iota3A : vector<16xi32>
        tpu.vector_store_idx %arg12[%add3A_553], %get3A_544 : memref<54080xf32, #tpu.memory_space<vmem>>[vector<16xi32>], vector<16xf32>,
        %add3A_554 = arith.constant 384 : i32
        %add3A_555 = arith.addi %mul3A_298, %add3A_554 : i32
        %add3A_556 = arith.constant 16 : i32
        %add3A_557 = arith.addi %add3A_555, %add3A_556 : i32
        %add3A_558 = vector.broadcast %add3A_557 : i32 to vector<16xi32>
        %add3A_559 = arith.addi %add3A_558, %iota3A : vector<16xi32>
        tpu.vector_store_idx %arg12[%add3A_559], %get3A_549 : memref<54080xf32, #tpu.memory_space<vmem>>[vector<16xi32>], vector<16xf32>,
        %add3A_560 = arith.constant 13 : i32
        %add3A_561 = arith.addi %mul3A_300, %add3A_560 : i32
        %get3A_562 = arith.index_cast %add3A_561 : i32 to index
        %get3A_563 = arith.constant 0 : index
        %get3A_564 = tpu.vector_load %arg10[%get3A_562, %get3A_563] {strides = array<i32>} : memref<1664x32xf32, #tpu.memory_space<vmem>>, vector<16xf32>,
        %add3A_565 = arith.constant 13 : i32
        %add3A_566 = arith.addi %mul3A_300, %add3A_565 : i32
        %get3A_567 = arith.index_cast %add3A_566 : i32 to index
        %get3A_568 = arith.constant 16 : index
        %get3A_569 = tpu.vector_load %arg10[%get3A_567, %get3A_568] {strides = array<i32>} : memref<1664x32xf32, #tpu.memory_space<vmem>>, vector<16xf32>,
        %add3A_570 = arith.constant 416 : i32
        %add3A_571 = arith.addi %mul3A_298, %add3A_570 : i32
        %add3A_572 = vector.broadcast %add3A_571 : i32 to vector<16xi32>
        %add3A_573 = arith.addi %add3A_572, %iota3A : vector<16xi32>
        tpu.vector_store_idx %arg12[%add3A_573], %get3A_564 : memref<54080xf32, #tpu.memory_space<vmem>>[vector<16xi32>], vector<16xf32>,
        %add3A_574 = arith.constant 416 : i32
        %add3A_575 = arith.addi %mul3A_298, %add3A_574 : i32
        %add3A_576 = arith.constant 16 : i32
        %add3A_577 = arith.addi %add3A_575, %add3A_576 : i32
        %add3A_578 = vector.broadcast %add3A_577 : i32 to vector<16xi32>
        %add3A_579 = arith.addi %add3A_578, %iota3A : vector<16xi32>
        tpu.vector_store_idx %arg12[%add3A_579], %get3A_569 : memref<54080xf32, #tpu.memory_space<vmem>>[vector<16xi32>], vector<16xf32>,
        %add3A_580 = arith.constant 14 : i32
        %add3A_581 = arith.addi %mul3A_300, %add3A_580 : i32
        %get3A_582 = arith.index_cast %add3A_581 : i32 to index
        %get3A_583 = arith.constant 0 : index
        %get3A_584 = tpu.vector_load %arg10[%get3A_582, %get3A_583] {strides = array<i32>} : memref<1664x32xf32, #tpu.memory_space<vmem>>, vector<16xf32>,
        %add3A_585 = arith.constant 14 : i32
        %add3A_586 = arith.addi %mul3A_300, %add3A_585 : i32
        %get3A_587 = arith.index_cast %add3A_586 : i32 to index
        %get3A_588 = arith.constant 16 : index
        %get3A_589 = tpu.vector_load %arg10[%get3A_587, %get3A_588] {strides = array<i32>} : memref<1664x32xf32, #tpu.memory_space<vmem>>, vector<16xf32>,
        %add3A_590 = arith.constant 448 : i32
        %add3A_591 = arith.addi %mul3A_298, %add3A_590 : i32
        %add3A_592 = vector.broadcast %add3A_591 : i32 to vector<16xi32>
        %add3A_593 = arith.addi %add3A_592, %iota3A : vector<16xi32>
        tpu.vector_store_idx %arg12[%add3A_593], %get3A_584 : memref<54080xf32, #tpu.memory_space<vmem>>[vector<16xi32>], vector<16xf32>,
        %add3A_594 = arith.constant 448 : i32
        %add3A_595 = arith.addi %mul3A_298, %add3A_594 : i32
        %add3A_596 = arith.constant 16 : i32
        %add3A_597 = arith.addi %add3A_595, %add3A_596 : i32
        %add3A_598 = vector.broadcast %add3A_597 : i32 to vector<16xi32>
        %add3A_599 = arith.addi %add3A_598, %iota3A : vector<16xi32>
        tpu.vector_store_idx %arg12[%add3A_599], %get3A_589 : memref<54080xf32, #tpu.memory_space<vmem>>[vector<16xi32>], vector<16xf32>,
        %add3A_600 = arith.constant 15 : i32
        %add3A_601 = arith.addi %mul3A_300, %add3A_600 : i32
        %get3A_602 = arith.index_cast %add3A_601 : i32 to index
        %get3A_603 = arith.constant 0 : index
        %get3A_604 = tpu.vector_load %arg10[%get3A_602, %get3A_603] {strides = array<i32>} : memref<1664x32xf32, #tpu.memory_space<vmem>>, vector<16xf32>,
        %add3A_605 = arith.constant 15 : i32
        %add3A_606 = arith.addi %mul3A_300, %add3A_605 : i32
        %get3A_607 = arith.index_cast %add3A_606 : i32 to index
        %get3A_608 = arith.constant 16 : index
        %get3A_609 = tpu.vector_load %arg10[%get3A_607, %get3A_608] {strides = array<i32>} : memref<1664x32xf32, #tpu.memory_space<vmem>>, vector<16xf32>,
        %add3A_610 = arith.constant 480 : i32
        %add3A_611 = arith.addi %mul3A_298, %add3A_610 : i32
        %add3A_612 = vector.broadcast %add3A_611 : i32 to vector<16xi32>
        %add3A_613 = arith.addi %add3A_612, %iota3A : vector<16xi32>
        tpu.vector_store_idx %arg12[%add3A_613], %get3A_604 : memref<54080xf32, #tpu.memory_space<vmem>>[vector<16xi32>], vector<16xf32>,
        %add3A_614 = arith.constant 480 : i32
        %add3A_615 = arith.addi %mul3A_298, %add3A_614 : i32
        %add3A_616 = arith.constant 16 : i32
        %add3A_617 = arith.addi %add3A_615, %add3A_616 : i32
        %add3A_618 = vector.broadcast %add3A_617 : i32 to vector<16xi32>
        %add3A_619 = arith.addi %add3A_618, %iota3A : vector<16xi32>
        tpu.vector_store_idx %arg12[%add3A_619], %get3A_609 : memref<54080xf32, #tpu.memory_space<vmem>>[vector<16xi32>], vector<16xf32>,
        %add3A_620 = arith.constant 16 : i32
        %add3A_621 = arith.addi %mul3A_300, %add3A_620 : i32
        %get3A_622 = arith.index_cast %add3A_621 : i32 to index
        %get3A_623 = arith.constant 0 : index
        %get3A_624 = tpu.vector_load %arg10[%get3A_622, %get3A_623] {strides = array<i32>} : memref<1664x32xf32, #tpu.memory_space<vmem>>, vector<16xf32>,
        %add3A_625 = arith.constant 16 : i32
        %add3A_626 = arith.addi %mul3A_300, %add3A_625 : i32
        %get3A_627 = arith.index_cast %add3A_626 : i32 to index
        %get3A_628 = arith.constant 16 : index
        %get3A_629 = tpu.vector_load %arg10[%get3A_627, %get3A_628] {strides = array<i32>} : memref<1664x32xf32, #tpu.memory_space<vmem>>, vector<16xf32>,
        %add3A_630 = arith.constant 512 : i32
        %add3A_631 = arith.addi %mul3A_298, %add3A_630 : i32
        %add3A_632 = vector.broadcast %add3A_631 : i32 to vector<16xi32>
        %add3A_633 = arith.addi %add3A_632, %iota3A : vector<16xi32>
        tpu.vector_store_idx %arg12[%add3A_633], %get3A_624 : memref<54080xf32, #tpu.memory_space<vmem>>[vector<16xi32>], vector<16xf32>,
        %add3A_634 = arith.constant 512 : i32
        %add3A_635 = arith.addi %mul3A_298, %add3A_634 : i32
        %add3A_636 = arith.constant 16 : i32
        %add3A_637 = arith.addi %add3A_635, %add3A_636 : i32
        %add3A_638 = vector.broadcast %add3A_637 : i32 to vector<16xi32>
        %add3A_639 = arith.addi %add3A_638, %iota3A : vector<16xi32>
        tpu.vector_store_idx %arg12[%add3A_639], %get3A_629 : memref<54080xf32, #tpu.memory_space<vmem>>[vector<16xi32>], vector<16xf32>,
        %add3A_640 = arith.constant 17 : i32
        %add3A_641 = arith.addi %mul3A_300, %add3A_640 : i32
        %get3A_642 = arith.index_cast %add3A_641 : i32 to index
        %get3A_643 = arith.constant 0 : index
        %get3A_644 = tpu.vector_load %arg10[%get3A_642, %get3A_643] {strides = array<i32>} : memref<1664x32xf32, #tpu.memory_space<vmem>>, vector<16xf32>,
        %add3A_645 = arith.constant 17 : i32
        %add3A_646 = arith.addi %mul3A_300, %add3A_645 : i32
        %get3A_647 = arith.index_cast %add3A_646 : i32 to index
        %get3A_648 = arith.constant 16 : index
        %get3A_649 = tpu.vector_load %arg10[%get3A_647, %get3A_648] {strides = array<i32>} : memref<1664x32xf32, #tpu.memory_space<vmem>>, vector<16xf32>,
        %add3A_650 = arith.constant 544 : i32
        %add3A_651 = arith.addi %mul3A_298, %add3A_650 : i32
        %add3A_652 = vector.broadcast %add3A_651 : i32 to vector<16xi32>
        %add3A_653 = arith.addi %add3A_652, %iota3A : vector<16xi32>
        tpu.vector_store_idx %arg12[%add3A_653], %get3A_644 : memref<54080xf32, #tpu.memory_space<vmem>>[vector<16xi32>], vector<16xf32>,
        %add3A_654 = arith.constant 544 : i32
        %add3A_655 = arith.addi %mul3A_298, %add3A_654 : i32
        %add3A_656 = arith.constant 16 : i32
        %add3A_657 = arith.addi %add3A_655, %add3A_656 : i32
        %add3A_658 = vector.broadcast %add3A_657 : i32 to vector<16xi32>
        %add3A_659 = arith.addi %add3A_658, %iota3A : vector<16xi32>
        tpu.vector_store_idx %arg12[%add3A_659], %get3A_649 : memref<54080xf32, #tpu.memory_space<vmem>>[vector<16xi32>], vector<16xf32>,
        %add3A_660 = arith.constant 18 : i32
        %add3A_661 = arith.addi %mul3A_300, %add3A_660 : i32
        %get3A_662 = arith.index_cast %add3A_661 : i32 to index
        %get3A_663 = arith.constant 0 : index
        %get3A_664 = tpu.vector_load %arg10[%get3A_662, %get3A_663] {strides = array<i32>} : memref<1664x32xf32, #tpu.memory_space<vmem>>, vector<16xf32>,
        %add3A_665 = arith.constant 18 : i32
        %add3A_666 = arith.addi %mul3A_300, %add3A_665 : i32
        %get3A_667 = arith.index_cast %add3A_666 : i32 to index
        %get3A_668 = arith.constant 16 : index
        %get3A_669 = tpu.vector_load %arg10[%get3A_667, %get3A_668] {strides = array<i32>} : memref<1664x32xf32, #tpu.memory_space<vmem>>, vector<16xf32>,
        %add3A_670 = arith.constant 576 : i32
        %add3A_671 = arith.addi %mul3A_298, %add3A_670 : i32
        %add3A_672 = vector.broadcast %add3A_671 : i32 to vector<16xi32>
        %add3A_673 = arith.addi %add3A_672, %iota3A : vector<16xi32>
        tpu.vector_store_idx %arg12[%add3A_673], %get3A_664 : memref<54080xf32, #tpu.memory_space<vmem>>[vector<16xi32>], vector<16xf32>,
        %add3A_674 = arith.constant 576 : i32
        %add3A_675 = arith.addi %mul3A_298, %add3A_674 : i32
        %add3A_676 = arith.constant 16 : i32
        %add3A_677 = arith.addi %add3A_675, %add3A_676 : i32
        %add3A_678 = vector.broadcast %add3A_677 : i32 to vector<16xi32>
        %add3A_679 = arith.addi %add3A_678, %iota3A : vector<16xi32>
        tpu.vector_store_idx %arg12[%add3A_679], %get3A_669 : memref<54080xf32, #tpu.memory_space<vmem>>[vector<16xi32>], vector<16xf32>,
        %add3A_680 = arith.constant 19 : i32
        %add3A_681 = arith.addi %mul3A_300, %add3A_680 : i32
        %get3A_682 = arith.index_cast %add3A_681 : i32 to index
        %get3A_683 = arith.constant 0 : index
        %get3A_684 = tpu.vector_load %arg10[%get3A_682, %get3A_683] {strides = array<i32>} : memref<1664x32xf32, #tpu.memory_space<vmem>>, vector<16xf32>,
        %add3A_685 = arith.constant 19 : i32
        %add3A_686 = arith.addi %mul3A_300, %add3A_685 : i32
        %get3A_687 = arith.index_cast %add3A_686 : i32 to index
        %get3A_688 = arith.constant 16 : index
        %get3A_689 = tpu.vector_load %arg10[%get3A_687, %get3A_688] {strides = array<i32>} : memref<1664x32xf32, #tpu.memory_space<vmem>>, vector<16xf32>,
        %add3A_690 = arith.constant 608 : i32
        %add3A_691 = arith.addi %mul3A_298, %add3A_690 : i32
        %add3A_692 = vector.broadcast %add3A_691 : i32 to vector<16xi32>
        %add3A_693 = arith.addi %add3A_692, %iota3A : vector<16xi32>
        tpu.vector_store_idx %arg12[%add3A_693], %get3A_684 : memref<54080xf32, #tpu.memory_space<vmem>>[vector<16xi32>], vector<16xf32>,
        %add3A_694 = arith.constant 608 : i32
        %add3A_695 = arith.addi %mul3A_298, %add3A_694 : i32
        %add3A_696 = arith.constant 16 : i32
        %add3A_697 = arith.addi %add3A_695, %add3A_696 : i32
        %add3A_698 = vector.broadcast %add3A_697 : i32 to vector<16xi32>
        %add3A_699 = arith.addi %add3A_698, %iota3A : vector<16xi32>
        tpu.vector_store_idx %arg12[%add3A_699], %get3A_689 : memref<54080xf32, #tpu.memory_space<vmem>>[vector<16xi32>], vector<16xf32>,
        %add3A_700 = arith.constant 20 : i32
        %add3A_701 = arith.addi %mul3A_300, %add3A_700 : i32
        %get3A_702 = arith.index_cast %add3A_701 : i32 to index
        %get3A_703 = arith.constant 0 : index
        %get3A_704 = tpu.vector_load %arg10[%get3A_702, %get3A_703] {strides = array<i32>} : memref<1664x32xf32, #tpu.memory_space<vmem>>, vector<16xf32>,
        %add3A_705 = arith.constant 20 : i32
        %add3A_706 = arith.addi %mul3A_300, %add3A_705 : i32
        %get3A_707 = arith.index_cast %add3A_706 : i32 to index
        %get3A_708 = arith.constant 16 : index
        %get3A_709 = tpu.vector_load %arg10[%get3A_707, %get3A_708] {strides = array<i32>} : memref<1664x32xf32, #tpu.memory_space<vmem>>, vector<16xf32>,
        %add3A_710 = arith.constant 640 : i32
        %add3A_711 = arith.addi %mul3A_298, %add3A_710 : i32
        %add3A_712 = vector.broadcast %add3A_711 : i32 to vector<16xi32>
        %add3A_713 = arith.addi %add3A_712, %iota3A : vector<16xi32>
        tpu.vector_store_idx %arg12[%add3A_713], %get3A_704 : memref<54080xf32, #tpu.memory_space<vmem>>[vector<16xi32>], vector<16xf32>,
        %add3A_714 = arith.constant 640 : i32
        %add3A_715 = arith.addi %mul3A_298, %add3A_714 : i32
        %add3A_716 = arith.constant 16 : i32
        %add3A_717 = arith.addi %add3A_715, %add3A_716 : i32
        %add3A_718 = vector.broadcast %add3A_717 : i32 to vector<16xi32>
        %add3A_719 = arith.addi %add3A_718, %iota3A : vector<16xi32>
        tpu.vector_store_idx %arg12[%add3A_719], %get3A_709 : memref<54080xf32, #tpu.memory_space<vmem>>[vector<16xi32>], vector<16xf32>,
        %add3A_720 = arith.constant 21 : i32
        %add3A_721 = arith.addi %mul3A_300, %add3A_720 : i32
        %get3A_722 = arith.index_cast %add3A_721 : i32 to index
        %get3A_723 = arith.constant 0 : index
        %get3A_724 = tpu.vector_load %arg10[%get3A_722, %get3A_723] {strides = array<i32>} : memref<1664x32xf32, #tpu.memory_space<vmem>>, vector<16xf32>,
        %add3A_725 = arith.constant 21 : i32
        %add3A_726 = arith.addi %mul3A_300, %add3A_725 : i32
        %get3A_727 = arith.index_cast %add3A_726 : i32 to index
        %get3A_728 = arith.constant 16 : index
        %get3A_729 = tpu.vector_load %arg10[%get3A_727, %get3A_728] {strides = array<i32>} : memref<1664x32xf32, #tpu.memory_space<vmem>>, vector<16xf32>,
        %add3A_730 = arith.constant 672 : i32
        %add3A_731 = arith.addi %mul3A_298, %add3A_730 : i32
        %add3A_732 = vector.broadcast %add3A_731 : i32 to vector<16xi32>
        %add3A_733 = arith.addi %add3A_732, %iota3A : vector<16xi32>
        tpu.vector_store_idx %arg12[%add3A_733], %get3A_724 : memref<54080xf32, #tpu.memory_space<vmem>>[vector<16xi32>], vector<16xf32>,
        %add3A_734 = arith.constant 672 : i32
        %add3A_735 = arith.addi %mul3A_298, %add3A_734 : i32
        %add3A_736 = arith.constant 16 : i32
        %add3A_737 = arith.addi %add3A_735, %add3A_736 : i32
        %add3A_738 = vector.broadcast %add3A_737 : i32 to vector<16xi32>
        %add3A_739 = arith.addi %add3A_738, %iota3A : vector<16xi32>
        tpu.vector_store_idx %arg12[%add3A_739], %get3A_729 : memref<54080xf32, #tpu.memory_space<vmem>>[vector<16xi32>], vector<16xf32>,
        %add3A_740 = arith.constant 22 : i32
        %add3A_741 = arith.addi %mul3A_300, %add3A_740 : i32
        %get3A_742 = arith.index_cast %add3A_741 : i32 to index
        %get3A_743 = arith.constant 0 : index
        %get3A_744 = tpu.vector_load %arg10[%get3A_742, %get3A_743] {strides = array<i32>} : memref<1664x32xf32, #tpu.memory_space<vmem>>, vector<16xf32>,
        %add3A_745 = arith.constant 22 : i32
        %add3A_746 = arith.addi %mul3A_300, %add3A_745 : i32
        %get3A_747 = arith.index_cast %add3A_746 : i32 to index
        %get3A_748 = arith.constant 16 : index
        %get3A_749 = tpu.vector_load %arg10[%get3A_747, %get3A_748] {strides = array<i32>} : memref<1664x32xf32, #tpu.memory_space<vmem>>, vector<16xf32>,
        %add3A_750 = arith.constant 704 : i32
        %add3A_751 = arith.addi %mul3A_298, %add3A_750 : i32
        %add3A_752 = vector.broadcast %add3A_751 : i32 to vector<16xi32>
        %add3A_753 = arith.addi %add3A_752, %iota3A : vector<16xi32>
        tpu.vector_store_idx %arg12[%add3A_753], %get3A_744 : memref<54080xf32, #tpu.memory_space<vmem>>[vector<16xi32>], vector<16xf32>,
        %add3A_754 = arith.constant 704 : i32
        %add3A_755 = arith.addi %mul3A_298, %add3A_754 : i32
        %add3A_756 = arith.constant 16 : i32
        %add3A_757 = arith.addi %add3A_755, %add3A_756 : i32
        %add3A_758 = vector.broadcast %add3A_757 : i32 to vector<16xi32>
        %add3A_759 = arith.addi %add3A_758, %iota3A : vector<16xi32>
        tpu.vector_store_idx %arg12[%add3A_759], %get3A_749 : memref<54080xf32, #tpu.memory_space<vmem>>[vector<16xi32>], vector<16xf32>,
        %add3A_760 = arith.constant 23 : i32
        %add3A_761 = arith.addi %mul3A_300, %add3A_760 : i32
        %get3A_762 = arith.index_cast %add3A_761 : i32 to index
        %get3A_763 = arith.constant 0 : index
        %get3A_764 = tpu.vector_load %arg10[%get3A_762, %get3A_763] {strides = array<i32>} : memref<1664x32xf32, #tpu.memory_space<vmem>>, vector<16xf32>,
        %add3A_765 = arith.constant 23 : i32
        %add3A_766 = arith.addi %mul3A_300, %add3A_765 : i32
        %get3A_767 = arith.index_cast %add3A_766 : i32 to index
        %get3A_768 = arith.constant 16 : index
        %get3A_769 = tpu.vector_load %arg10[%get3A_767, %get3A_768] {strides = array<i32>} : memref<1664x32xf32, #tpu.memory_space<vmem>>, vector<16xf32>,
        %add3A_770 = arith.constant 736 : i32
        %add3A_771 = arith.addi %mul3A_298, %add3A_770 : i32
        %add3A_772 = vector.broadcast %add3A_771 : i32 to vector<16xi32>
        %add3A_773 = arith.addi %add3A_772, %iota3A : vector<16xi32>
        tpu.vector_store_idx %arg12[%add3A_773], %get3A_764 : memref<54080xf32, #tpu.memory_space<vmem>>[vector<16xi32>], vector<16xf32>,
        %add3A_774 = arith.constant 736 : i32
        %add3A_775 = arith.addi %mul3A_298, %add3A_774 : i32
        %add3A_776 = arith.constant 16 : i32
        %add3A_777 = arith.addi %add3A_775, %add3A_776 : i32
        %add3A_778 = vector.broadcast %add3A_777 : i32 to vector<16xi32>
        %add3A_779 = arith.addi %add3A_778, %iota3A : vector<16xi32>
        tpu.vector_store_idx %arg12[%add3A_779], %get3A_769 : memref<54080xf32, #tpu.memory_space<vmem>>[vector<16xi32>], vector<16xf32>,
        %add3A_780 = arith.constant 24 : i32
        %add3A_781 = arith.addi %mul3A_300, %add3A_780 : i32
        %get3A_782 = arith.index_cast %add3A_781 : i32 to index
        %get3A_783 = arith.constant 0 : index
        %get3A_784 = tpu.vector_load %arg10[%get3A_782, %get3A_783] {strides = array<i32>} : memref<1664x32xf32, #tpu.memory_space<vmem>>, vector<16xf32>,
        %add3A_785 = arith.constant 24 : i32
        %add3A_786 = arith.addi %mul3A_300, %add3A_785 : i32
        %get3A_787 = arith.index_cast %add3A_786 : i32 to index
        %get3A_788 = arith.constant 16 : index
        %get3A_789 = tpu.vector_load %arg10[%get3A_787, %get3A_788] {strides = array<i32>} : memref<1664x32xf32, #tpu.memory_space<vmem>>, vector<16xf32>,
        %add3A_790 = arith.constant 768 : i32
        %add3A_791 = arith.addi %mul3A_298, %add3A_790 : i32
        %add3A_792 = vector.broadcast %add3A_791 : i32 to vector<16xi32>
        %add3A_793 = arith.addi %add3A_792, %iota3A : vector<16xi32>
        tpu.vector_store_idx %arg12[%add3A_793], %get3A_784 : memref<54080xf32, #tpu.memory_space<vmem>>[vector<16xi32>], vector<16xf32>,
        %add3A_794 = arith.constant 768 : i32
        %add3A_795 = arith.addi %mul3A_298, %add3A_794 : i32
        %add3A_796 = arith.constant 16 : i32
        %add3A_797 = arith.addi %add3A_795, %add3A_796 : i32
        %add3A_798 = vector.broadcast %add3A_797 : i32 to vector<16xi32>
        %add3A_799 = arith.addi %add3A_798, %iota3A : vector<16xi32>
        tpu.vector_store_idx %arg12[%add3A_799], %get3A_789 : memref<54080xf32, #tpu.memory_space<vmem>>[vector<16xi32>], vector<16xf32>,
        %add3A_800 = arith.constant 25 : i32
        %add3A_801 = arith.addi %mul3A_300, %add3A_800 : i32
        %get3A_802 = arith.index_cast %add3A_801 : i32 to index
        %get3A_803 = arith.constant 0 : index
        %get3A_804 = tpu.vector_load %arg10[%get3A_802, %get3A_803] {strides = array<i32>} : memref<1664x32xf32, #tpu.memory_space<vmem>>, vector<16xf32>,
        %add3A_805 = arith.constant 25 : i32
        %add3A_806 = arith.addi %mul3A_300, %add3A_805 : i32
        %get3A_807 = arith.index_cast %add3A_806 : i32 to index
        %get3A_808 = arith.constant 16 : index
        %get3A_809 = tpu.vector_load %arg10[%get3A_807, %get3A_808] {strides = array<i32>} : memref<1664x32xf32, #tpu.memory_space<vmem>>, vector<16xf32>,
        %add3A_810 = arith.constant 800 : i32
        %add3A_811 = arith.addi %mul3A_298, %add3A_810 : i32
        %add3A_812 = vector.broadcast %add3A_811 : i32 to vector<16xi32>
        %add3A_813 = arith.addi %add3A_812, %iota3A : vector<16xi32>
        tpu.vector_store_idx %arg12[%add3A_813], %get3A_804 : memref<54080xf32, #tpu.memory_space<vmem>>[vector<16xi32>], vector<16xf32>,
        %add3A_814 = arith.constant 800 : i32
        %add3A_815 = arith.addi %mul3A_298, %add3A_814 : i32
        %add3A_816 = arith.constant 16 : i32
        %add3A_817 = arith.addi %add3A_815, %add3A_816 : i32
        %add3A_818 = vector.broadcast %add3A_817 : i32 to vector<16xi32>
        %add3A_819 = arith.addi %add3A_818, %iota3A : vector<16xi32>
        tpu.vector_store_idx %arg12[%add3A_819], %get3A_809 : memref<54080xf32, #tpu.memory_space<vmem>>[vector<16xi32>], vector<16xf32>,
        %mul3A_820 = arith.constant 13 : i32
        %mul3A_821 = arith.muli %scan3A_295, %mul3A_820 : i32
        %add3A_822 = vector.broadcast %mul3A_821 : i32 to vector<16xi32>
        %add3A_823 = arith.addi %add3A_822, %iota3A : vector<16xi32>
        %gather3A = tpu.vector_load_idx %arg11[%add3A_823] masked %lt3A_2 : memref<848xf32, #tpu.memory_space<vmem>>[vector<16xi32>], vector<16xf32>, vector<16xi1>
        %add3A_824 = arith.constant 832 : i32
        %add3A_825 = arith.addi %mul3A_298, %add3A_824 : i32
        %add3A_826 = vector.broadcast %add3A_825 : i32 to vector<16xi32>
        %add3A_827 = arith.addi %add3A_826, %iota3A : vector<16xi32>
        tpu.vector_store_idx %arg12[%add3A_827], %gather3A masked %lt3A_2 : memref<54080xf32, #tpu.memory_space<vmem>>[vector<16xi32>], vector<16xf32>, vector<16xi1>
        %scan3A_828 = arith.constant 0 : i32
        scf.yield %scan3A_828 : i32
      }
      %scan3A_291 = arith.constant 64 : i32
      %mul3A_292 = arith.constant 845 : i32
      %mul3A_293 = arith.muli %add3A_15, %mul3A_292 : i32
      "tpu.region"() ({
        %run_scoped3A = tpu.sem_alloc : memref<!tpu.dma_semaphore, #tpu.memory_space<semaphore_mem>>
        %dma_start3A_295 = tpu.memref_slice %arg6[%mul3A_293] : memref<13844480xf32, #tpu.memory_space<hbm>> -> memref<54080xf32, #tpu.memory_space<hbm>>
        %dma_start3A_296 = tpu.memref_slice %arg6[%mul3A_293] : memref<13844480xf32, #tpu.memory_space<hbm>> -> memref<54080xf32, #tpu.memory_space<hbm>>
        tpu.enqueue_dma source(%arg12 : memref<54080xf32, #tpu.memory_space<vmem>>) target(%dma_start3A_296 : memref<54080xf32, #tpu.memory_space<hbm>>) target_semaphore(%run_scoped3A : memref<!tpu.dma_semaphore, #tpu.memory_space<semaphore_mem>>)
        %dma_wait3A_297 = tpu.memref_slice %arg6[%mul3A_293] : memref<13844480xf32, #tpu.memory_space<hbm>> -> memref<54080xf32, #tpu.memory_space<hbm>>
        %dma_wait3A_298 = tpu.memref_slice %arg6[%mul3A_293] : memref<13844480xf32, #tpu.memory_space<hbm>> -> memref<54080xf32, #tpu.memory_space<hbm>>
        tpu.wait_dma2 semaphore(%run_scoped3A : memref<!tpu.dma_semaphore, #tpu.memory_space<semaphore_mem>>) src(%arg12 : memref<54080xf32, #tpu.memory_space<vmem>>) dst(%dma_wait3A_298 : memref<54080xf32, #tpu.memory_space<hbm>>)
        tpu.yield
      }) : () -> ()
      %scan3A_294 = arith.constant 0 : i32
      scf.yield %scan3A_294 : i32
    }
    %scan3A_8 = arith.constant 8 : i32
    return
  }
}

</mosaic_0001>

<sc_bundles>
// kernel: _run.3.cloned.1.call-start
scs
__scs_entry_jumppad:
0x0: {  	(pc) =	sbr.rel $0x88, $3  }
0x1: {  	(tag) =	ssettag $0x0;
	lr =	simm.s32 $0x1  }
0x2: {  	[smem:$0x3F9E] =	sst lr;
	_ =	strace $0xD0000000  }
0x3: {  	_ = 	snop  }
0x4: {  	_ = 	snop  }
0x5: {  	_ = 	snop  }
0x6: {  	_ = 	snop  }
0x7: {  	_ = 	snop  }
__scs_overlays_trampoline_lowered:
0x8: {  	[smem:$0x3FAD] =	sst s0  }
0x9: {  	[smem:$0x3FAE] =	sst s1  }
0xa: {  	[smem:$0x3FAF] =	sst s2  }
0xb: {  	[smem:$0x3FB0] =	sst s3  }
0xc: {  	[smem:$0x3FB1] =	sst s4  }
0xd: {  	[smem:$0x3FB2] =	sst s5  }
0xe: {  	[smem:$0x3FB3] =	sst s6  }
0xf: {  	[smem:$0x3FB4] =	sst s7  }
0x10: {  	[smem:$0x3FB5] =	sst s8  }
0x11: {  	[smem:$0x3FB6] =	sst s9;
	s0 =	simm.s32 @!p0 $0x0  }
0x12: {  	s1 =	sld [smem:$0x3F9C];
	s0 =	simm.s32 @p0 $0x1  }
0x13: {  	[smem:$0x3FB7] =	sst s0;
	s0 =	simm.s32 @!p1 $0x0  }
0x14: {  	s2 =	sld [smem:$0x3F9B];
	s0 =	simm.s32 @p1 $0x1  }
0x15: {  	[smem:$0x3FB8] =	sst s0;
	s0 =	simm.s32 @!p2 $0x0  }
0x16: {  	s3 =	sld [smem:$0x3FDB];
	s0 =	simm.s32 @p2 $0x1  }
0x17: {  	s4 =	simm.s32 $0x1BF5;
	[smem:$0x3FBA] =	sst s0  }
0x18: {  	s0 =	sld [smem:$0x3F9D];
	_ =	swait.ge [sflag:s4], $0x0  }
0x19: {  	s7 =	sld [smem:$0x3F9E]  }
0x1a: {  	s8 =	sadd.s32 $0xFFFFE003, lr  }
0x1b: {  	s9 =	sadd.s32 $0xFFFFFEF7, lr;
	s5 =	simm.s32 $0xFFFFFFFF;
	p2 =	slt.u32 s8, $0xFFFFF086  }
0x1c: {  	p1 =	slt.u32 s9, $0xF7A;
	s5 =	simm.s32 @!p2 $0x0  }
0x1d: {  	s5 =	simm.s32 @p1 $0x1;
	p0 =	seq.s32 s7, s2  }
0x1e: {  	s7 =	smul.u32 @!p0 $0xF7A, s2;
	p2 =	seq.s32 @!p0 s5, $0x0  }
0x1f: {  	s9 =	smul.u32 $0xF7A, s1;
	s8 =	simm.s32 @!p0 $0x1BF5;
	p2 =	por !p2, p0  }
0x20: {  	[sflag:s8] =	ssyncset.s32 @!p0 $0xFFFFF086;
	s6 =	sadd.s32 @!p0 s3, s7;
	s7 =	simm.s32 @!p0 $0x108  }
0x21: {  	s3 =	sadd.s32 s3, s9;
	s6 =	sadd.s32 @!p0 $0x88, s6;
	s7 =	simm.s32 @p2 $0x1082  }
0x22: {  	[simem:s7], [sflag:s8] =	dma.local @!p0 [hbm:s6], $0xF7A  }
0x23: {  	s9 =	sor.u32 $0xD0000000, s2;
	s6 =	simm.s32 $0x108;
	_ =	swait.ge @!p0 [sflag:s8], $0x0  }
0x24: {  	s3 =	sadd.s32 $0x88, s3;
	s6 =	simm.s32 @!p1 $0x1082;
	[sflag:s4] =	ssyncset.s32 $0xFFFFF086  }
0x25: {  	[simem:s6], [sflag:s4] =	dma.local [hbm:s3], $0xF7A  }
0x26: {  	[smem:$0x3F9E] =	sst s1;
	(tag) =	ssettag s2;
	_ =	strace s9  }
0x27: {  	s1 =	sld [smem:$0x3FAE]  }
0x28: {  	s2 =	sld [smem:$0x3FAF]  }
0x29: {  	s4 =	sld [smem:$0x3FB1]  }
0x2a: {  	p0 =	seq.s32 s5, $0x0;
	s5 =	sld [smem:$0x3FB2]  }
0x2b: {  	s6 =	sld [smem:$0x3FB3]  }
0x2c: {  	s7 =	sld [smem:$0x3FB4]  }
0x2d: {  	s3 =	simm.s32 $0x108;
	s8 =	sld [smem:$0x3FB5]  }
0x2e: {  	s3 =	simm.s32 @!p0 $0x1082;
	s9 =	sld [smem:$0x3FB6]  }
0x2f: {  	lr =	sadd.s32 s0, s3;
	s0 =	sld [smem:$0x3FAD]  }
0x30: {  	s3 =	sld [smem:$0x3FB0]  }
0x31: {  	[smem:$0x3FB9] =	sst s10  }
0x32: {  	s10 =	sld [smem:$0x3FB7];
	_ =	sdelay $0x3  }
0x33: {  	p0 =	seq.s32 s10, $0x1;
	s10 =	sld [smem:$0x3FB9];
	_ =	sdelay $0x3  }
0x34: {  	[smem:$0x3FB9] =	sst s10  }
0x35: {  	s10 =	sld [smem:$0x3FB8];
	_ =	sdelay $0x3  }
0x36: {  	p1 =	seq.s32 s10, $0x1;
	s10 =	sld [smem:$0x3FB9];
	_ =	sdelay $0x3  }
0x37: {  	[smem:$0x3FB9] =	sst s10  }
0x38: {  	s10 =	sld [smem:$0x3FBA]  }
0x39: {  	_ = 	snop;
	(pc) =	sbr.ind lr, $3  }
0x3a: {  	_ = 	snop  }
0x3b: {  	_ = 	snop  }
0x3c: {  	p2 =	seq.s32 s10, $0x1;
	s10 =	sld [smem:$0x3FB9]  }
0x3d: {  	_ =	shalt  }
0x3e: {  	_ =	shalt  }
0x3f: {  	_ =	shalt  }
0x40: {  	_ =	shalt  }
0x41: {  	_ =	shalt  }
0x42: {  	_ =	shalt  }
0x43: {  	_ =	shalt  }
0x44: {  	_ =	shalt  }
0x45: {  	_ =	shalt  }
0x46: {  	_ =	shalt  }
0x47: {  	_ =	shalt  }
0x48: {  	_ =	shalt  }
0x49: {  	_ =	shalt  }
0x4a: {  	_ =	shalt  }
0x4b: {  	_ =	shalt  }
0x4c: {  	_ =	shalt  }
0x4d: {  	_ =	shalt  }
0x4e: {  	_ =	shalt  }
0x4f: {  	_ =	shalt  }
0x50: {  	_ =	shalt  }
0x51: {  	_ =	shalt  }
0x52: {  	_ =	shalt  }
0x53: {  	_ =	shalt  }
0x54: {  	_ =	shalt  }
0x55: {  	_ =	shalt  }
0x56: {  	_ =	shalt  }
0x57: {  	_ =	shalt  }
0x58: {  	_ =	shalt  }
0x59: {  	_ =	shalt  }
0x5a: {  	_ =	shalt  }
0x5b: {  	_ =	shalt  }
0x5c: {  	_ =	shalt  }
0x5d: {  	_ =	shalt  }
0x5e: {  	_ =	shalt  }
0x5f: {  	_ =	shalt  }
0x60: {  	_ =	shalt  }
0x61: {  	_ =	shalt  }
0x62: {  	_ =	shalt  }
0x63: {  	_ =	shalt  }
0x64: {  	_ =	shalt  }
0x65: {  	_ =	shalt  }
0x66: {  	_ =	shalt  }
0x67: {  	_ =	shalt  }
0x68: {  	_ =	shalt  }
0x69: {  	_ =	shalt  }
0x6a: {  	_ =	shalt  }
0x6b: {  	_ =	shalt  }
0x6c: {  	_ =	shalt  }
0x6d: {  	_ =	shalt  }
0x6e: {  	_ =	shalt  }
0x6f: {  	_ =	shalt  }
0x70: {  	_ =	shalt  }
0x71: {  	_ =	shalt  }
0x72: {  	_ =	shalt  }
0x73: {  	_ =	shalt  }
0x74: {  	_ =	shalt  }
0x75: {  	_ =	shalt  }
0x76: {  	_ =	shalt  }
0x77: {  	_ =	shalt  }
0x78: {  	_ =	shalt  }
0x79: {  	_ =	shalt  }
0x7a: {  	_ =	shalt  }
0x7b: {  	_ =	shalt  }
0x7c: {  	_ =	shalt  }
0x7d: {  	_ =	shalt  }
0x7e: {  	_ =	shalt  }
0x7f: {  	_ =	shalt  }
0x80: {  	_ =	shalt  }
0x81: {  	_ =	shalt  }
0x82: {  	_ =	shalt  }
0x83: {  	_ =	shalt  }
0x84: {  	_ =	shalt  }
0x85: {  	_ =	shalt  }
0x86: {  	_ =	shalt  }
0x87: {  	_ =	shalt  }
.Lfunc_end0:
.L_simem_size_0:
called_computation.1_lowered:
.L_overlay_start_0:
0x88: {  	s2 =	sld [smem:$0x3FD9]  }
0x89: {  	s3 =	sld [smem:$0x3FFE];
	_ =	sdelay $0x1  }
0x8a: {  	s1 =	srdreg.scid  }
0x8b: {  	s0 =	sand.u32 $0x1, s1  }
0x8c: {  	s17 =	sshll.u32 s0, $0xA;
	s2 =	sadd.s32 s3, s2  }
0x8d: {  	s2 =	sadd.s32 s2, s17  }
0x8e: {  	[smem:$0x3FC5] =	sst s2  }
0x8f: {  	_ = 	snop  }
0x90: {  	s2 =	sld [smem:$0x3FD0];
	(tm) =	ssettm $0x1  }
0x91: {  	s18 =	sld [smem:$0x3FFB];
	_ =	sdelay $0x3  }
0x92: {  	_ =	strace s18  }
0x93: {  	s3 =	sld [smem:$0x3FFC];
	_ =	sdelay $0x3  }
0x94: {  	_ =	strace s3  }
0x95: {  	s3 =	sld [smem:$0x3FFD];
	_ =	sdelay $0x3  }
0x96: {  	_ =	strace s3  }
0x97: {  	_ =	strace $0x8FFFFFFF  }
0x98: {  	s19 =	sld [smem:$0x3FDB];
	_ =	sdelay $0x1  }
0x99: {  	s4 =	simm.s32 $_scs_section_size  }
0x9a: {  	s5 =	simm.s32 $_size__tile_overlayer_lowered;
	s6 =	simm.s32 $_tile_overlayer_lowered  }
0x9b: {  	s22 =	simm.s32 $0x1BFF;
	s21 =	sshll.u32 s6, $0x1;
	s3 =	sadd.s32 s4, s19  }
0x9c: {  	s7 =	simm.s32 $0x0;
	s20 =	sshll.u32 s5, $0x1;
	s5 =	sadd.s32 s21, s3  }
0x9d: {  	[timem:s7], [sflag:s22] =	dma.local [hbm:s5], s20  }
0x9e: {  	_ =	swait.ge [sflag:s22], s20  }
0x9f: {  	s4 =	ssub.s32 $0x0, s20;
	[sflag:s22] =	ssyncset.done $0x0  }
0xa0: {  	[sflag:s22] =	ssyncadd.s32 s4;
	_ =	sdelay $0x1  }
0xa1: {  	s23 =	simm.s32 $0x1B8B  }
0xa2: {  	_ =	swait.ge [sflag:s23], $0x1  }
0xa3: {  	[sflag:s23] =	ssyncset.done $0x0  }
0xa4: {  	s25 =	simm.s32 $0x1B8E;
	s24 =	sld [smem:$0x3FFE];
	[sflag:s23] =	ssyncadd.s32 $0xFFFFFFFF  }
0xa5: {  	s26 =	simm.s32 $execute0_lowered;
	[smem:$0x3FD2] =	sst s25  }
0xa6: {  	s5 =	sshll.u32 s26, $0x1;
	_ =	strace $0x80000046;
	[dreg:$0x1] =	wrdreg $0xFFFFFFFF  }
0xa7: {  	s28 =	simm.s32 $_size_execute0_lowered;
	s3 =	sadd.s32 s3, s5;
	[dreg:$0x0] =	wrdreg $0x0  }
0xa8: {  	s5 =	sshll.u32 s28, $0x1;
	[dreg:$0x2] =	wrdreg s3  }
0xa9: {  	[dreg:$0x3] =	wrdreg s5  }
0xaa: {  	[dreg:$0x4] =	wrdreg $0xC0  }
0xab: {  	_ =	task [dreg:s7], $0x5FFFF  }
0xac: {  	[dreg:$0x1] =	wrdreg $0xFFFFFFFF  }
0xad: {  	[dreg:$0x0] =	wrdreg $0x60  }
0xae: {  	[dreg:$0x2] =	wrdreg s24  }
0xaf: {  	[dreg:$0x3] =	wrdreg s2  }
0xb0: {  	[dreg:$0x4] =	wrdreg $0x9  }
0xb1: {  	_ =	task.clear_ibuf [dreg:s7], $0x5FFFF;
	_ =	strace $0x90000046  }
0xb2: {  	s29 =	simm.s32 $0x9;
	_ =	strace $0x80000048  }
0xb3: {  	_ =	swait.ge [sflag:s29], $0x1  }
0xb4: {  	[sflag:s29] =	ssyncadd.s32 $0xFFFFFFFF  }
0xb5: {  	_ =	strace $0x90000048  }
0xb6: {  	_ =	sfence  }
0xb7: {  	s30 =	sld [smem:$0x0];
	_ =	sdelay $0x2  }
0xb8: {  	s31 =	sshll.u32 s1, $0xD;
	s1 =	sshrl.u32 s1, $0x2  }
0xb9: {  	s3 =	sand.u32 $0x4000, s31;
	s1 =	sadd.s32 s1, s30  }
0xba: {  	s0 =	sor.u32 s3, s0;
	s1 =	sshll.u32 s1, $0x11  }
0xbb: {  	s0 =	sor.u32 s1, s0  }
0xbc: {  	s0 =	sadd.s32 $0x8F2B, s0  }
0xbd: {  	[sflag:s0] =	ssyncadd.remote.s32 $0x1  }
0xbe: {  	_ =	sfence.sel $0xFFFF  }
0xbf: {  	[dreg:$0x0] =	wrdreg $0xFFFFFFFF;
	(pc) =	sbr.abs _section_cstart, $3  }
0xc0: {  	[dreg:$0x1] =	wrdreg $0xFFFFFFFF  }
0xc1: {  	_ =	task.clear_ibuf [dreg:s7], $0x2FFFF;
	_ =	strace $0x9FFFFFFF  }
0xc2: {  	(tm) =	ssettm $0x7FFFFFFF  }
0xc3: {  	_ =	shalt  }
tec
execute0_lowered:
.L_overlay_start_1:
0x0: {  	(tag) =	ssettag $0x1  }
0x1: {  	s0 =	rddreg [dreg:$0x0];
	s2 =	simm.s32 $0x0  }
0x2: {  	s1 =	srdreg.scid;
	s8 =	stileid.u32;
	s11 =	simm.s32 $0x2  }
0x3: {  	s12 =	simm.s32 $0xE380;
	s13 =	simm.s32 $0x80;
	s29 =	simm.s32 $0xA00  }
0x4: {  	s30 =	simm.s32 $0x8380;
	s31 =	simm.s32 $0xA80;
	s10 =	simm.s32 $0xA380  }
0x5: {  	s9 =	simm.s32 $0xB380;
	s14 =	simm.s32 $0xC380;
	s15 =	simm.s32 $0xC80  }
0x6: {  	s16 =	simm.s32 $0xD380;
	s17 =	simm.s32 $0x1;
	s18 =	simm.s32 $0xE6D0  }
0x7: {  	s20 =	simm.s32 $0x0;
	[smem:$0x7FF] =	sst s2;
	s1 =	sand.u32 $0x1, s1  }
0x8: {  	s4 =	sadd.s32 $0xDE00, s0;
	s5 =	sadd.s32 $0xE00, s0;
	s6 =	sadd.s32 $0x27AD200, s0  }
0x9: {  	s26 =	sshll.u32 s8, $0xA;
	s0 =	sadd.s32 $0x14600, s0;
	s3 =	ssub.s32 $0x2, s1  }
0xa: {  	_ =	strace $0x80000047;
	s1 =	sshll.u32 s1, $0x9;
	s7 =	sshrl.u32 s3, $0x1  }
0xb: {  	[dreg:$0x3] =	wrdreg s0;
	s0 =	simm.s32 $0x9380;
	s3 =	ssub.s32 s3, s7  }
0xc: {  	s8 =	sor.u32 s1, s26;
	s1 =	simm.s32 $0xC00;
	s28 =	smax.u32 s3, $0x1  }
0xd: {  	v0 =	vlaneseq.u32;
	s7 =	simm.s32 $0xB80;
	s3 =	simm.s32 $0xB00;
	[dreg:$0x4] =	wrdreg s28  }
.LBB2_1:
0xe: {  	[dreg:$0x5] =	wrdreg s20  }
0xf: {  	s19 =	rddreg [dreg:$0x3];
	s28 =	simm.s32 $0xD00  }
0x10: {  	[tilespmem:s28], [sflag:$0x2] =	stream.linear.gather [hbm4b:s19+s2], $0x680, $0x38;
	[tilespmem:$0x1BA10] =	vst v63  }
0x11: {  	_ =	swait.ge [sflag:s11], $0x680  }
0x12: {  	[sflag:s11] =	ssyncset.done $0x0  }
0x13: {  	s19 =	simm.s32 $0x0;
	[sflag:s11] =	ssyncadd.s32 $0xFFFFF980  }
.LBB2_2:
0x14: {  	s20 =	sshll.u32 s19, $0x6  }
0x15: {  	s20 =	sadd.s32 s8, s20  }
0x16: {  	s21 =	smul.u32 $0x1A, s20;
	_ =	sdelay $0x1  }
0x17: {  	s21 =	sshrl.u32 s21, $0x3  }
0x18: {  	s22 =	simm.s32 $0x0;
	s28 =	smul.u32 $0xD, s20;
	s21 =	sadd.s32 s5, s21  }
0x19: {  	[tilespmem:s22], [sflag:$0x2] =	stream.linear.gather [hbm4b:s21+s22], $0x680, $0x38;
	[tilespmem:$0x1BA10] =	vst v63  }
0x1a: {  	_ =	swait.ge [sflag:s11], $0x680  }
0x1b: {  	s21 =	sshrl.u32 s28, $0x3;
	[sflag:s11] =	ssyncset.done $0x0  }
0x1c: {  	s21 =	sadd.s32 s4, s21;
	[sflag:s11] =	ssyncadd.s32 $0xFFFFF980  }
0x1d: {  	[tilespmem:s12], [sflag:$0x2] =	stream.linear.gather [hbm4b:s21+s22], $0x340, $0x38;
	[tilespmem:$0x1BA10] =	vst v63  }
0x1e: {  	_ =	swait.ge [sflag:s11], $0x340  }
0x1f: {  	[sflag:s11] =	ssyncset.done $0x0  }
0x20: {  	s21 =	simm.s32 $0x0;
	[sflag:s11] =	ssyncadd.s32 $0xFFFFFCC0  }
0x21: {  	v1 =	vld [tilespmem:s21+$0x70]  }
0x22: {  	v2 =	vld [tilespmem:s21+$0xD70]  }
0x23: {  	v3 =	vld [tilespmem:s21+$0x0]  }
0x24: {  	v4 =	vld [tilespmem:s21+$0xD00]  }
0x25: {  	v5 =	vld [tilespmem:s21+$0x10]  }
0x26: {  	v6 =	vld [tilespmem:s21+$0xD10]  }
0x27: {  	v7 =	vld [tilespmem:s21+$0x20]  }
0x28: {  	v1 =	vadd.s32 v1, v2;
	v2 =	vld [tilespmem:s21+$0xD20]  }
0x29: {  	[tilespmem:s21+$0x6F0] =	vst v1;
	v1 =	vadd.s32 v3, v4;
	v3 =	vld [tilespmem:s21+$0x30]  }
0x2a: {  	[tilespmem:s21+$0x680] =	vst v1;
	v1 =	vld [tilespmem:s21+$0xD30]  }
0x2b: {  	v8 =	vld [tilespmem:s21+$0xD40]  }
0x2c: {  	v4 =	vadd.s32 v5, v6;
	v6 =	vld [tilespmem:s21+$0x40]  }
0x2d: {  	[tilespmem:s21+$0x690] =	vst v4;
	v4 =	vadd.s32 v7, v2;
	v2 =	vld [tilespmem:s21+$0x50]  }
0x2e: {  	[tilespmem:s21+$0x6A0] =	vst v4;
	v4 =	vld [tilespmem:s21+$0xD50]  }
0x2f: {  	v5 =	vld [tilespmem:s21+$0xD60];
	v1 =	vadd.s32 v3, v1  }
0x30: {  	s22 =	simm.s32 $0x80;
	v3 =	vld [tilespmem:s21+$0x60];
	[tilespmem:s21+$0x6B0] =	vst v1  }
0x31: {  	s23 =	simm.s32 $0x400;
	v6 =	vadd.s32 v6, v8;
	v1 =	vld [tilespmem:s22+$0x70]  }
.LBB2_3:
0x32: {  	p0 =	sne.s32 s23, $0x1800;
	v7 =	vld [tilespmem:s22+$0xD70];
	[tilespmem:s21+$0x6C0] =	vst v6  }
0x33: {  	v6 =	vld [tilespmem:s22+$0x0];
	v2 =	vadd.s32 v2, v4  }
0x34: {  	v4 =	vld [tilespmem:s22+$0xD00];
	[tilespmem:s21+$0x6D0] =	vst v2  }
0x35: {  	v2 =	vld [tilespmem:s22+$0x10];
	v3 =	vadd.s32 v3, v5  }
0x36: {  	v5 =	vld [tilespmem:s22+$0xD10];
	[tilespmem:s21+$0x6E0] =	vst v3;
	s21 =	smov.u32 s22  }
0x37: {  	v3 =	vld [tilespmem:s21+$0x20];
	v1 =	vadd.s32 v1, v7  }
0x38: {  	v7 =	vld [tilespmem:s21+$0xD20];
	[tilespmem:s21+$0x6F0] =	vst v1  }
0x39: {  	v1 =	vadd.s32 v6, v4;
	v6 =	vld [tilespmem:s21+$0x30]  }
0x3a: {  	[tilespmem:s21+$0x680] =	vst v1;
	v1 =	vld [tilespmem:s21+$0xD30]  }
0x3b: {  	v2 =	vadd.s32 v2, v5;
	v8 =	vld [tilespmem:s21+$0x40]  }
0x3c: {  	[tilespmem:s21+$0x690] =	vst v2;
	v9 =	vld [tilespmem:s21+$0xD40]  }
.Ltmp0:
0x3d: {  	v3 =	vadd.s32 v3, v7;
	v2 =	vld [tilespmem:s21+$0x50];
	(pc) =	sbr.rel @p0 .LBB2_3-.Ltmp0, $4  }
0x3e: {  	[tilespmem:s21+$0x6A0] =	vst v3;
	v4 =	vld [tilespmem:s21+$0xD50]  }
0x3f: {  	v1 =	vadd.s32 v6, v1;
	v3 =	vld [tilespmem:s21+$0x60]  }
0x40: {  	s22 =	sshra.s32 s23, $0x2;
	[tilespmem:s21+$0x6B0] =	vst v1;
	v5 =	vld [tilespmem:s21+$0xD60]  }
0x41: {  	s23 =	sadd.s32 $0x200, s23;
	v1 =	vld [tilespmem:s22+$0x70];
	v6 =	vadd.s32 v8, v9  }
0x42: {  	v7 =	vld [tilespmem:s22+$0xD70];
	[tilespmem:s21+$0x6C0] =	vst v6  }
0x43: {  	v6 =	vld [tilespmem:s22+$0x0];
	v2 =	vadd.s32 v2, v4  }
0x44: {  	v30 =	vld [tilespmem:s22+$0xD00];
	[tilespmem:s21+$0x6D0] =	vst v2  }
0x45: {  	v2 =	vld [tilespmem:s22+$0x10];
	v3 =	vadd.s32 v3, v5  }
0x46: {  	v31 =	vld [tilespmem:s22+$0xD10];
	[tilespmem:s21+$0x6E0] =	vst v3  }
0x47: {  	v3 =	vld [tilespmem:s22+$0x20]  }
0x48: {  	v1 =	vadd.s32 v1, v7;
	v32 =	vld [tilespmem:s22+$0xD20]  }
0x49: {  	v33 =	vld [tilespmem:s22+$0x30];
	[tilespmem:s22+$0x6F0] =	vst v1;
	v1 =	vadd.s32 v6, v30  }
0x4a: {  	[tilespmem:s22+$0x680] =	vst v1;
	v1 =	vld [tilespmem:s22+$0xD30]  }
0x4b: {  	v34 =	vld [tilespmem:s22+$0x40]  }
0x4c: {  	v35 =	vld [tilespmem:s22+$0x50]  }
0x4d: {  	v36 =	vld [tilespmem:s22+$0x60];
	v2 =	vadd.s32 v2, v31  }
0x4e: {  	[tilespmem:s22+$0x690] =	vst v2;
	v2 =	vld [tilespmem:s22+$0xD40];
	v3 =	vadd.s32 v3, v32  }
0x4f: {  	[tilespmem:s22+$0x6A0] =	vst v3;
	v3 =	vld [tilespmem:s22+$0xD50];
	v1 =	vadd.s32 v33, v1  }
0x50: {  	[tilespmem:s22+$0x6B0] =	vst v1;
	v1 =	vld [tilespmem:s22+$0xD60];
	_ =	sdelay $0x2  }
0x51: {  	v2 =	vadd.s32 v34, v2  }
0x52: {  	[tilespmem:s22+$0x6C0] =	vst v2;
	v2 =	vadd.s32 v35, v3  }
0x53: {  	[tilespmem:s22+$0x6D0] =	vst v2;
	v1 =	vadd.s32 v36, v1  }
0x54: {  	s24 =	simm.s32 $0x680;
	s25 =	simm.s32 $0x1380;
	[tilespmem:s22+$0x6E0] =	vst v1  }
0x55: {  	[tilespmem:s25], [sflag:$0x1] =	stream.indirect.gather [hbm4b:s6+s13], $0x20, s24, s13, $0xb8;
	[tilespmem:$0x1BA10] =	vst v63  }
0x56: {  	s26 =	simm.s32 $0x700;
	s28 =	simm.s32 $0x2380  }
0x57: {  	[tilespmem:s28], [sflag:$0x1] =	stream.indirect.gather [hbm4b:s6+s13], $0x20, s26, s13, $0xb8;
	[tilespmem:$0x1BA10] =	vst v63  }
0x58: {  	s23 =	simm.s32 $0x3380;
	s22 =	simm.s32 $0x780  }
0x59: {  	[tilespmem:s23], [sflag:$0x1] =	stream.indirect.gather [hbm4b:s6+s13], $0x20, s22, s13, $0xb8;
	[tilespmem:$0x1BA10] =	vst v63  }
0x5a: {  	s24 =	simm.s32 $0x800;
	s25 =	simm.s32 $0x4380  }
0x5b: {  	[tilespmem:s25], [sflag:$0x1] =	stream.indirect.gather [hbm4b:s6+s13], $0x20, s24, s13, $0xb8;
	[tilespmem:$0x1BA10] =	vst v63  }
0x5c: {  	s26 =	simm.s32 $0x880;
	s28 =	simm.s32 $0x5380  }
0x5d: {  	[tilespmem:s28], [sflag:$0x1] =	stream.indirect.gather [hbm4b:s6+s13], $0x20, s26, s13, $0xb8;
	[tilespmem:$0x1BA10] =	vst v63  }
0x5e: {  	s22 =	simm.s32 $0x900;
	s23 =	simm.s32 $0x6380  }
0x5f: {  	[tilespmem:s23], [sflag:$0x1] =	stream.indirect.gather [hbm4b:s6+s13], $0x20, s22, s13, $0xb8;
	[tilespmem:$0x1BA10] =	vst v63  }
0x60: {  	s24 =	simm.s32 $0x980;
	s25 =	simm.s32 $0x7380  }
0x61: {  	[tilespmem:s25], [sflag:$0x1] =	stream.indirect.gather [hbm4b:s6+s13], $0x20, s24, s13, $0xb8;
	[tilespmem:$0x1BA10] =	vst v63  }
0x62: {  	_ = 	snop  }
0x63: {  	[tilespmem:s30], [sflag:$0x1] =	stream.indirect.gather [hbm4b:s6+s13], $0x20, s29, s13, $0xb8;
	[tilespmem:$0x1BA10] =	vst v63  }
0x64: {  	_ = 	snop  }
0x65: {  	[tilespmem:s0], [sflag:$0x1] =	stream.indirect.gather [hbm4b:s6+s13], $0x20, s31, s13, $0xb8;
	[tilespmem:$0x1BA10] =	vst v63  }
0x66: {  	_ = 	snop  }
0x67: {  	[tilespmem:s10], [sflag:$0x1] =	stream.indirect.gather [hbm4b:s6+s13], $0x20, s3, s13, $0xb8;
	[tilespmem:$0x1BA10] =	vst v63  }
0x68: {  	_ = 	snop  }
0x69: {  	[tilespmem:s9], [sflag:$0x1] =	stream.indirect.gather [hbm4b:s6+s13], $0x20, s7, s13, $0xb8;
	[tilespmem:$0x1BA10] =	vst v63  }
0x6a: {  	_ = 	snop  }
0x6b: {  	[tilespmem:s14], [sflag:$0x1] =	stream.indirect.gather [hbm4b:s6+s13], $0x20, s1, s13, $0xb8;
	[tilespmem:$0x1BA10] =	vst v63  }
0x6c: {  	_ = 	snop  }
0x6d: {  	[tilespmem:s16], [sflag:$0x1] =	stream.indirect.gather [hbm4b:s6+s13], $0x20, s15, s13, $0xb8;
	[tilespmem:$0x1BA10] =	vst v63  }
0x6e: {  	_ =	swait.ge [sflag:s17], $0x1000  }
0x6f: {  	[sflag:s17] =	ssyncset.done $0x0  }
0x70: {  	[sflag:s17] =	ssyncadd.s32 $0xFFFFF000  }
0x71: {  	_ =	swait.ge [sflag:s17], $0x1000  }
0x72: {  	[sflag:s17] =	ssyncset.done $0x0  }
0x73: {  	[sflag:s17] =	ssyncadd.s32 $0xFFFFF000  }
0x74: {  	_ =	swait.ge [sflag:s17], $0x1000  }
0x75: {  	[sflag:s17] =	ssyncset.done $0x0  }
0x76: {  	[sflag:s17] =	ssyncadd.s32 $0xFFFFF000  }
0x77: {  	_ =	swait.ge [sflag:s17], $0x1000  }
0x78: {  	[sflag:s17] =	ssyncset.done $0x0  }
0x79: {  	[sflag:s17] =	ssyncadd.s32 $0xFFFFF000  }
0x7a: {  	_ =	swait.ge [sflag:s17], $0x1000  }
0x7b: {  	[sflag:s17] =	ssyncset.done $0x0  }
0x7c: {  	[sflag:s17] =	ssyncadd.s32 $0xFFFFF000  }
0x7d: {  	_ =	swait.ge [sflag:s17], $0x1000  }
0x7e: {  	[sflag:s17] =	ssyncset.done $0x0  }
0x7f: {  	[sflag:s17] =	ssyncadd.s32 $0xFFFFF000  }
0x80: {  	_ =	swait.ge [sflag:s17], $0x1000  }
0x81: {  	[sflag:s17] =	ssyncset.done $0x0  }
0x82: {  	[sflag:s17] =	ssyncadd.s32 $0xFFFFF000  }
0x83: {  	_ =	swait.ge [sflag:s17], $0x1000  }
0x84: {  	[sflag:s17] =	ssyncset.done $0x0  }
0x85: {  	[sflag:s17] =	ssyncadd.s32 $0xFFFFF000  }
0x86: {  	_ =	swait.ge [sflag:s17], $0x1000  }
0x87: {  	[sflag:s17] =	ssyncset.done $0x0  }
0x88: {  	[sflag:s17] =	ssyncadd.s32 $0xFFFFF000  }
0x89: {  	_ =	swait.ge [sflag:s17], $0x1000  }
0x8a: {  	[sflag:s17] =	ssyncset.done $0x0  }
0x8b: {  	[sflag:s17] =	ssyncadd.s32 $0xFFFFF000  }
0x8c: {  	_ =	swait.ge [sflag:s17], $0x1000  }
0x8d: {  	[sflag:s17] =	ssyncset.done $0x0  }
0x8e: {  	[sflag:s17] =	ssyncadd.s32 $0xFFFFF000  }
0x8f: {  	_ =	swait.ge [sflag:s17], $0x1000  }
0x90: {  	[sflag:s17] =	ssyncset.done $0x0  }
0x91: {  	[sflag:s17] =	ssyncadd.s32 $0xFFFFF000  }
0x92: {  	_ =	swait.ge [sflag:s17], $0x1000  }
0x93: {  	[sflag:s17] =	ssyncset.done $0x0  }
0x94: {  	s26 =	simm.s32 $0x0;
	s22 =	simm.s32 $0x1520;
	[sflag:s17] =	ssyncadd.s32 $0xFFFFF000  }
0x95: {  	s28 =	simm.s32 $0x10;
	v2 =	vadd.s32 s26, v0;
	v1 =	vld [tilespmem:s22+$0xFFFFFE60]  }
0x96: {  	v37 =	vadd.s32 s28, v0;
	v3 =	vld [tilespmem:s22+$0xFFFFFE70];
	_ =	sdelay $0x3  }
0x97: {  	[tilespmem:v2+s18+$0x0] =	vst.idx.msk $0xffff, v1  }
0x98: {  	s23 =	simm.s32 $0x20;
	[tilespmem:v37+s18+$0x0] =	vst.idx.msk $0xffff, v3  }
0x99: {  	s24 =	simm.s32 $0x30;
	v2 =	vadd.s32 s23, v0;
	v1 =	vld [tilespmem:s22+$0xFFFFFE80]  }
0x9a: {  	v38 =	vadd.s32 s24, v0;
	v3 =	vld [tilespmem:s22+$0xFFFFFE90];
	_ =	sdelay $0x3  }
0x9b: {  	[tilespmem:v2+s18+$0x0] =	vst.idx.msk $0xffff, v1  }
0x9c: {  	s25 =	simm.s32 $0x40;
	[tilespmem:v38+s18+$0x0] =	vst.idx.msk $0xffff, v3  }
0x9d: {  	s26 =	simm.s32 $0x50;
	v2 =	vadd.s32 s25, v0;
	v1 =	vld [tilespmem:s22+$0xFFFFFEA0]  }
0x9e: {  	v39 =	vadd.s32 s26, v0;
	v3 =	vld [tilespmem:s22+$0xFFFFFEB0];
	_ =	sdelay $0x3  }
0x9f: {  	[tilespmem:v2+s18+$0x0] =	vst.idx.msk $0xffff, v1  }
0xa0: {  	s28 =	simm.s32 $0x60;
	[tilespmem:v39+s18+$0x0] =	vst.idx.msk $0xffff, v3  }
0xa1: {  	s23 =	simm.s32 $0x70;
	v2 =	vadd.s32 s28, v0;
	v1 =	vld [tilespmem:s22+$0xFFFFFEC0]  }
0xa2: {  	v40 =	vadd.s32 s23, v0;
	v3 =	vld [tilespmem:s22+$0xFFFFFED0];
	_ =	sdelay $0x3  }
0xa3: {  	[tilespmem:v2+s18+$0x0] =	vst.idx.msk $0xffff, v1  }
0xa4: {  	s24 =	simm.s32 $0x80;
	[tilespmem:v40+s18+$0x0] =	vst.idx.msk $0xffff, v3  }
0xa5: {  	s25 =	simm.s32 $0x90;
	v2 =	vadd.s32 s24, v0;
	v1 =	vld [tilespmem:s22+$0xFFFFFEE0]  }
0xa6: {  	v41 =	vadd.s32 s25, v0;
	v3 =	vld [tilespmem:s22+$0xFFFFFEF0];
	_ =	sdelay $0x3  }
0xa7: {  	[tilespmem:v2+s18+$0x0] =	vst.idx.msk $0xffff, v1  }
0xa8: {  	s26 =	simm.s32 $0xA0;
	[tilespmem:v41+s18+$0x0] =	vst.idx.msk $0xffff, v3  }
0xa9: {  	s28 =	simm.s32 $0xB0;
	v2 =	vadd.s32 s26, v0;
	v1 =	vld [tilespmem:s22+$0xFFFFFF00]  }
0xaa: {  	v42 =	vadd.s32 s28, v0;
	v3 =	vld [tilespmem:s22+$0xFFFFFF10];
	_ =	sdelay $0x3  }
0xab: {  	[tilespmem:v2+s18+$0x0] =	vst.idx.msk $0xffff, v1  }
0xac: {  	s23 =	simm.s32 $0xC0;
	[tilespmem:v42+s18+$0x0] =	vst.idx.msk $0xffff, v3  }
0xad: {  	s24 =	simm.s32 $0xD0;
	v2 =	vadd.s32 s23, v0;
	v1 =	vld [tilespmem:s22+$0xFFFFFF20]  }
0xae: {  	v43 =	vadd.s32 s24, v0;
	v3 =	vld [tilespmem:s22+$0xFFFFFF30];
	_ =	sdelay $0x3  }
0xaf: {  	[tilespmem:v2+s18+$0x0] =	vst.idx.msk $0xffff, v1  }
0xb0: {  	s25 =	simm.s32 $0xE0;
	[tilespmem:v43+s18+$0x0] =	vst.idx.msk $0xffff, v3  }
0xb1: {  	s26 =	simm.s32 $0xF0;
	v2 =	vadd.s32 s25, v0;
	v1 =	vld [tilespmem:s22+$0xFFFFFF40]  }
0xb2: {  	v44 =	vadd.s32 s26, v0;
	v3 =	vld [tilespmem:s22+$0xFFFFFF50];
	_ =	sdelay $0x3  }
0xb3: {  	[tilespmem:v2+s18+$0x0] =	vst.idx.msk $0xffff, v1  }
0xb4: {  	s28 =	simm.s32 $0x100;
	[tilespmem:v44+s18+$0x0] =	vst.idx.msk $0xffff, v3  }
0xb5: {  	s23 =	simm.s32 $0x110;
	v2 =	vadd.s32 s28, v0;
	v1 =	vld [tilespmem:s22+$0xFFFFFF60]  }
0xb6: {  	v45 =	vadd.s32 s23, v0;
	v3 =	vld [tilespmem:s22+$0xFFFFFF70];
	_ =	sdelay $0x3  }
0xb7: {  	[tilespmem:v2+s18+$0x0] =	vst.idx.msk $0xffff, v1  }
0xb8: {  	s24 =	simm.s32 $0x120;
	[tilespmem:v45+s18+$0x0] =	vst.idx.msk $0xffff, v3  }
0xb9: {  	s25 =	simm.s32 $0x130;
	v2 =	vadd.s32 s24, v0;
	v1 =	vld [tilespmem:s22+$0xFFFFFF80]  }
0xba: {  	v46 =	vadd.s32 s25, v0;
	v3 =	vld [tilespmem:s22+$0xFFFFFF90];
	_ =	sdelay $0x3  }
0xbb: {  	[tilespmem:v2+s18+$0x0] =	vst.idx.msk $0xffff, v1  }
0xbc: {  	s26 =	simm.s32 $0x140;
	[tilespmem:v46+s18+$0x0] =	vst.idx.msk $0xffff, v3  }
0xbd: {  	s28 =	simm.s32 $0x150;
	v2 =	vadd.s32 s26, v0;
	v1 =	vld [tilespmem:s22+$0xFFFFFFA0]  }
0xbe: {  	v47 =	vadd.s32 s28, v0;
	v3 =	vld [tilespmem:s22+$0xFFFFFFB0];
	_ =	sdelay $0x3  }
0xbf: {  	[tilespmem:v2+s18+$0x0] =	vst.idx.msk $0xffff, v1  }
0xc0: {  	s23 =	simm.s32 $0x160;
	[tilespmem:v47+s18+$0x0] =	vst.idx.msk $0xffff, v3  }
0xc1: {  	s24 =	simm.s32 $0x170;
	v2 =	vadd.s32 s23, v0;
	v1 =	vld [tilespmem:s22+$0xFFFFFFC0]  }
0xc2: {  	v48 =	vadd.s32 s24, v0;
	v3 =	vld [tilespmem:s22+$0xFFFFFFD0];
	_ =	sdelay $0x3  }
0xc3: {  	[tilespmem:v2+s18+$0x0] =	vst.idx.msk $0xffff, v1  }
0xc4: {  	s25 =	simm.s32 $0x180;
	[tilespmem:v48+s18+$0x0] =	vst.idx.msk $0xffff, v3  }
0xc5: {  	s26 =	simm.s32 $0x190;
	v2 =	vadd.s32 s25, v0;
	v1 =	vld [tilespmem:s22+$0xFFFFFFE0]  }
0xc6: {  	v49 =	vadd.s32 s26, v0;
	v3 =	vld [tilespmem:s22+$0xFFFFFFF0];
	_ =	sdelay $0x3  }
0xc7: {  	[tilespmem:v2+s18+$0x0] =	vst.idx.msk $0xffff, v1  }
0xc8: {  	s28 =	simm.s32 $0x1A0;
	[tilespmem:v49+s18+$0x0] =	vst.idx.msk $0xffff, v3  }
0xc9: {  	s23 =	simm.s32 $0x1B0;
	v2 =	vadd.s32 s28, v0;
	v1 =	vld [tilespmem:s22+$0x0]  }
0xca: {  	v50 =	vadd.s32 s23, v0;
	v3 =	vld [tilespmem:s22+$0x10];
	_ =	sdelay $0x3  }
0xcb: {  	[tilespmem:v2+s18+$0x0] =	vst.idx.msk $0xffff, v1  }
0xcc: {  	s24 =	simm.s32 $0x1C0;
	[tilespmem:v50+s18+$0x0] =	vst.idx.msk $0xffff, v3  }
0xcd: {  	s25 =	simm.s32 $0x1D0;
	v2 =	vadd.s32 s24, v0;
	v1 =	vld [tilespmem:s22+$0x20]  }
0xce: {  	v51 =	vadd.s32 s25, v0;
	v3 =	vld [tilespmem:s22+$0x30];
	_ =	sdelay $0x3  }
0xcf: {  	[tilespmem:v2+s18+$0x0] =	vst.idx.msk $0xffff, v1  }
0xd0: {  	s26 =	simm.s32 $0x1E0;
	[tilespmem:v51+s18+$0x0] =	vst.idx.msk $0xffff, v3  }
0xd1: {  	s28 =	simm.s32 $0x1F0;
	v2 =	vadd.s32 s26, v0;
	v1 =	vld [tilespmem:s22+$0x40]  }
0xd2: {  	v52 =	vadd.s32 s28, v0;
	v3 =	vld [tilespmem:s22+$0x50];
	_ =	sdelay $0x3  }
0xd3: {  	[tilespmem:v2+s18+$0x0] =	vst.idx.msk $0xffff, v1  }
0xd4: {  	s23 =	simm.s32 $0x200;
	[tilespmem:v52+s18+$0x0] =	vst.idx.msk $0xffff, v3  }
0xd5: {  	s24 =	simm.s32 $0x210;
	v2 =	vadd.s32 s23, v0;
	v1 =	vld [tilespmem:s22+$0x60]  }
0xd6: {  	v53 =	vadd.s32 s24, v0;
	v3 =	vld [tilespmem:s22+$0x70];
	_ =	sdelay $0x3  }
0xd7: {  	[tilespmem:v2+s18+$0x0] =	vst.idx.msk $0xffff, v1  }
0xd8: {  	s25 =	simm.s32 $0x220;
	[tilespmem:v53+s18+$0x0] =	vst.idx.msk $0xffff, v3  }
0xd9: {  	s26 =	simm.s32 $0x230;
	v2 =	vadd.s32 s25, v0;
	v1 =	vld [tilespmem:s22+$0x80]  }
0xda: {  	v54 =	vadd.s32 s26, v0;
	v3 =	vld [tilespmem:s22+$0x90];
	_ =	sdelay $0x3  }
0xdb: {  	[tilespmem:v2+s18+$0x0] =	vst.idx.msk $0xffff, v1  }
0xdc: {  	s28 =	simm.s32 $0x240;
	[tilespmem:v54+s18+$0x0] =	vst.idx.msk $0xffff, v3  }
0xdd: {  	s23 =	simm.s32 $0x250;
	v2 =	vadd.s32 s28, v0;
	v1 =	vld [tilespmem:s22+$0xA0]  }
0xde: {  	v55 =	vadd.s32 s23, v0;
	v3 =	vld [tilespmem:s22+$0xB0];
	_ =	sdelay $0x3  }
0xdf: {  	[tilespmem:v2+s18+$0x0] =	vst.idx.msk $0xffff, v1  }
0xe0: {  	s24 =	simm.s32 $0x260;
	[tilespmem:v55+s18+$0x0] =	vst.idx.msk $0xffff, v3  }
0xe1: {  	s25 =	simm.s32 $0x270;
	v2 =	vadd.s32 s24, v0;
	v1 =	vld [tilespmem:s22+$0xC0]  }
0xe2: {  	v56 =	vadd.s32 s25, v0;
	v3 =	vld [tilespmem:s22+$0xD0];
	_ =	sdelay $0x3  }
0xe3: {  	[tilespmem:v2+s18+$0x0] =	vst.idx.msk $0xffff, v1  }
0xe4: {  	s26 =	simm.s32 $0x280;
	[tilespmem:v56+s18+$0x0] =	vst.idx.msk $0xffff, v3  }
0xe5: {  	s28 =	simm.s32 $0x290;
	v2 =	vadd.s32 s26, v0;
	v1 =	vld [tilespmem:s22+$0xE0]  }
0xe6: {  	v57 =	vadd.s32 s28, v0;
	v3 =	vld [tilespmem:s22+$0xF0];
	_ =	sdelay $0x3  }
0xe7: {  	[tilespmem:v2+s18+$0x0] =	vst.idx.msk $0xffff, v1  }
0xe8: {  	s23 =	simm.s32 $0x2A0;
	[tilespmem:v57+s18+$0x0] =	vst.idx.msk $0xffff, v3  }
0xe9: {  	s24 =	simm.s32 $0x2B0;
	v2 =	vadd.s32 s23, v0;
	v1 =	vld [tilespmem:s22+$0x100]  }
0xea: {  	v58 =	vadd.s32 s24, v0;
	v3 =	vld [tilespmem:s22+$0x110];
	_ =	sdelay $0x3  }
0xeb: {  	[tilespmem:v2+s18+$0x0] =	vst.idx.msk $0xffff, v1  }
0xec: {  	s25 =	simm.s32 $0x2C0;
	[tilespmem:v58+s18+$0x0] =	vst.idx.msk $0xffff, v3  }
0xed: {  	s26 =	simm.s32 $0x2D0;
	v2 =	vadd.s32 s25, v0;
	v1 =	vld [tilespmem:s22+$0x120]  }
0xee: {  	v59 =	vadd.s32 s26, v0;
	v3 =	vld [tilespmem:s22+$0x130];
	_ =	sdelay $0x3  }
0xef: {  	[tilespmem:v2+s18+$0x0] =	vst.idx.msk $0xffff, v1  }
0xf0: {  	s28 =	simm.s32 $0x2E0;
	[tilespmem:v59+s18+$0x0] =	vst.idx.msk $0xffff, v3  }
0xf1: {  	s23 =	simm.s32 $0x2F0;
	v2 =	vadd.s32 s28, v0;
	v1 =	vld [tilespmem:s22+$0x140]  }
0xf2: {  	v60 =	vadd.s32 s23, v0;
	v3 =	vld [tilespmem:s22+$0x150];
	_ =	sdelay $0x3  }
0xf3: {  	[tilespmem:v2+s18+$0x0] =	vst.idx.msk $0xffff, v1  }
0xf4: {  	s24 =	simm.s32 $0x300;
	[tilespmem:v60+s18+$0x0] =	vst.idx.msk $0xffff, v3  }
0xf5: {  	s25 =	simm.s32 $0x310;
	v2 =	vadd.s32 s24, v0;
	v1 =	vld [tilespmem:s22+$0x160]  }
0xf6: {  	v61 =	vadd.s32 s25, v0;
	v3 =	vld [tilespmem:s22+$0x170];
	_ =	sdelay $0x3  }
0xf7: {  	[tilespmem:v2+s18+$0x0] =	vst.idx.msk $0xffff, v1  }
0xf8: {  	s26 =	simm.s32 $0x320;
	[tilespmem:v61+s18+$0x0] =	vst.idx.msk $0xffff, v3  }
0xf9: {  	s23 =	simm.s32 $0x330;
	v2 =	vadd.s32 s26, v0;
	v1 =	vld [tilespmem:s22+$0x180]  }
0xfa: {  	s21 =	simm.s32 $0x0;
	v62 =	vadd.s32 s23, v0;
	v3 =	vld [tilespmem:s22+$0x190]  }
0xfb: {  	v63 =	vadd.s32 s21, v0;
	_ =	sdelay $0x2  }
0xfc: {  	[tilespmem:v2+s18+$0x0] =	vst.idx.msk $0xffff, v1  }
0xfd: {  	s28 =	simm.s32 $0x340;
	[tilespmem:v62+s18+$0x0] =	vst.idx.msk $0xffff, v3  }
0xfe: {  	v2 =	vadd.s32 s28, v0;
	v1 =	vld.idx.msk [tilespmem:v63+s12+$0x0], $0x1fff;
	_ =	sdelay $0x2  }
0xff: {  	s23 =	simm.s32 $0x1860;
	s24 =	simm.s32 $0x9DA;
	s22 =	simm.s32 $0x68D  }
.LBB2_5:
0x100: {  	s28 =	sadd.s32 $0xFFFFFCC0, s22  }
0x101: {  	[tilespmem:v2+s18+$0x0] =	vst.idx.msk $0x1fff, v1;
	s21 =	sadd.s32 $0xD, s21;
	s25 =	smov.u32 s24;
	s26 =	sadd.s32 $0x34D, s24  }
0x102: {  	p0 =	sne.s32 s24, $0xD333;
	s24 =	sadd.s32 $0xFFFFFCD0, s22;
	v1 =	vld [tilespmem:s23+$0xFFFFFE60];
	v2 =	vadd.s32 s28, v0  }
0x103: {  	v4 =	vadd.s32 s24, v0;
	v3 =	vld [tilespmem:s23+$0xFFFFFE70];
	_ =	sdelay $0x3  }
0x104: {  	[tilespmem:v2+s18+$0x0] =	vst.idx.msk $0xffff, v1  }
0x105: {  	s24 =	sadd.s32 $0xFFFFFCE0, s22;
	[tilespmem:v4+s18+$0x0] =	vst.idx.msk $0xffff, v3  }
0x106: {  	v2 =	vadd.s32 s24, v0;
	s24 =	sadd.s32 $0xFFFFFCF0, s22;
	v1 =	vld [tilespmem:s23+$0xFFFFFE80]  }
0x107: {  	v4 =	vadd.s32 s24, v0;
	v3 =	vld [tilespmem:s23+$0xFFFFFE90];
	_ =	sdelay $0x3  }
0x108: {  	[tilespmem:v2+s18+$0x0] =	vst.idx.msk $0xffff, v1  }
0x109: {  	s24 =	sadd.s32 $0xFFFFFD00, s22;
	[tilespmem:v4+s18+$0x0] =	vst.idx.msk $0xffff, v3  }
0x10a: {  	v2 =	vadd.s32 s24, v0;
	s24 =	sadd.s32 $0xFFFFFD10, s22;
	v1 =	vld [tilespmem:s23+$0xFFFFFEA0]  }
0x10b: {  	v4 =	vadd.s32 s24, v0;
	v3 =	vld [tilespmem:s23+$0xFFFFFEB0];
	_ =	sdelay $0x3  }
0x10c: {  	[tilespmem:v2+s18+$0x0] =	vst.idx.msk $0xffff, v1  }
0x10d: {  	s24 =	sadd.s32 $0xFFFFFD20, s22;
	[tilespmem:v4+s18+$0x0] =	vst.idx.msk $0xffff, v3  }
0x10e: {  	v2 =	vadd.s32 s24, v0;
	s24 =	sadd.s32 $0xFFFFFD30, s22;
	v1 =	vld [tilespmem:s23+$0xFFFFFEC0]  }
0x10f: {  	v4 =	vadd.s32 s24, v0;
	v3 =	vld [tilespmem:s23+$0xFFFFFED0];
	_ =	sdelay $0x3  }
0x110: {  	[tilespmem:v2+s18+$0x0] =	vst.idx.msk $0xffff, v1  }
0x111: {  	s24 =	sadd.s32 $0xFFFFFD40, s22;
	[tilespmem:v4+s18+$0x0] =	vst.idx.msk $0xffff, v3  }
0x112: {  	v2 =	vadd.s32 s24, v0;
	s24 =	sadd.s32 $0xFFFFFD50, s22;
	v1 =	vld [tilespmem:s23+$0xFFFFFEE0]  }
0x113: {  	v4 =	vadd.s32 s24, v0;
	v3 =	vld [tilespmem:s23+$0xFFFFFEF0];
	_ =	sdelay $0x3  }
0x114: {  	[tilespmem:v2+s18+$0x0] =	vst.idx.msk $0xffff, v1  }
0x115: {  	s24 =	sadd.s32 $0xFFFFFD60, s22;
	[tilespmem:v4+s18+$0x0] =	vst.idx.msk $0xffff, v3  }
0x116: {  	v2 =	vadd.s32 s24, v0;
	s24 =	sadd.s32 $0xFFFFFD70, s22;
	v1 =	vld [tilespmem:s23+$0xFFFFFF00]  }
0x117: {  	v4 =	vadd.s32 s24, v0;
	v3 =	vld [tilespmem:s23+$0xFFFFFF10];
	_ =	sdelay $0x3  }
0x118: {  	[tilespmem:v2+s18+$0x0] =	vst.idx.msk $0xffff, v1  }
0x119: {  	s24 =	sadd.s32 $0xFFFFFD80, s22;
	[tilespmem:v4+s18+$0x0] =	vst.idx.msk $0xffff, v3  }
0x11a: {  	v2 =	vadd.s32 s24, v0;
	s24 =	sadd.s32 $0xFFFFFD90, s22;
	v1 =	vld [tilespmem:s23+$0xFFFFFF20]  }
0x11b: {  	v4 =	vadd.s32 s24, v0;
	v3 =	vld [tilespmem:s23+$0xFFFFFF30];
	_ =	sdelay $0x3  }
0x11c: {  	[tilespmem:v2+s18+$0x0] =	vst.idx.msk $0xffff, v1  }
0x11d: {  	s24 =	sadd.s32 $0xFFFFFDA0, s22;
	[tilespmem:v4+s18+$0x0] =	vst.idx.msk $0xffff, v3  }
0x11e: {  	v2 =	vadd.s32 s24, v0;
	s24 =	sadd.s32 $0xFFFFFDB0, s22;
	v1 =	vld [tilespmem:s23+$0xFFFFFF40]  }
0x11f: {  	v4 =	vadd.s32 s24, v0;
	v3 =	vld [tilespmem:s23+$0xFFFFFF50];
	_ =	sdelay $0x3  }
0x120: {  	[tilespmem:v2+s18+$0x0] =	vst.idx.msk $0xffff, v1  }
0x121: {  	s24 =	sadd.s32 $0xFFFFFDC0, s22;
	[tilespmem:v4+s18+$0x0] =	vst.idx.msk $0xffff, v3  }
0x122: {  	v2 =	vadd.s32 s24, v0;
	s24 =	sadd.s32 $0xFFFFFDD0, s22;
	v1 =	vld [tilespmem:s23+$0xFFFFFF60]  }
0x123: {  	v4 =	vadd.s32 s24, v0;
	v3 =	vld [tilespmem:s23+$0xFFFFFF70];
	_ =	sdelay $0x3  }
0x124: {  	[tilespmem:v2+s18+$0x0] =	vst.idx.msk $0xffff, v1  }
0x125: {  	s24 =	sadd.s32 $0xFFFFFDE0, s22;
	[tilespmem:v4+s18+$0x0] =	vst.idx.msk $0xffff, v3  }
0x126: {  	v2 =	vadd.s32 s24, v0;
	s24 =	sadd.s32 $0xFFFFFDF0, s22;
	v1 =	vld [tilespmem:s23+$0xFFFFFF80]  }
0x127: {  	v4 =	vadd.s32 s24, v0;
	v3 =	vld [tilespmem:s23+$0xFFFFFF90];
	_ =	sdelay $0x3  }
0x128: {  	[tilespmem:v2+s18+$0x0] =	vst.idx.msk $0xffff, v1  }
0x129: {  	s24 =	sadd.s32 $0xFFFFFE00, s22;
	[tilespmem:v4+s18+$0x0] =	vst.idx.msk $0xffff, v3  }
0x12a: {  	v2 =	vadd.s32 s24, v0;
	s24 =	sadd.s32 $0xFFFFFE10, s22;
	v1 =	vld [tilespmem:s23+$0xFFFFFFA0]  }
0x12b: {  	v4 =	vadd.s32 s24, v0;
	v3 =	vld [tilespmem:s23+$0xFFFFFFB0];
	_ =	sdelay $0x3  }
0x12c: {  	[tilespmem:v2+s18+$0x0] =	vst.idx.msk $0xffff, v1  }
0x12d: {  	s24 =	sadd.s32 $0xFFFFFE20, s22;
	[tilespmem:v4+s18+$0x0] =	vst.idx.msk $0xffff, v3  }
0x12e: {  	v2 =	vadd.s32 s24, v0;
	s24 =	sadd.s32 $0xFFFFFE30, s22;
	v1 =	vld [tilespmem:s23+$0xFFFFFFC0]  }
0x12f: {  	v4 =	vadd.s32 s24, v0;
	v3 =	vld [tilespmem:s23+$0xFFFFFFD0];
	_ =	sdelay $0x3  }
0x130: {  	[tilespmem:v2+s18+$0x0] =	vst.idx.msk $0xffff, v1  }
0x131: {  	s24 =	sadd.s32 $0xFFFFFE40, s22;
	[tilespmem:v4+s18+$0x0] =	vst.idx.msk $0xffff, v3  }
0x132: {  	v2 =	vadd.s32 s24, v0;
	s24 =	sadd.s32 $0xFFFFFE50, s22;
	v1 =	vld [tilespmem:s23+$0xFFFFFFE0]  }
0x133: {  	v4 =	vadd.s32 s24, v0;
	v3 =	vld [tilespmem:s23+$0xFFFFFFF0];
	_ =	sdelay $0x3  }
0x134: {  	[tilespmem:v2+s18+$0x0] =	vst.idx.msk $0xffff, v1  }
0x135: {  	s24 =	sadd.s32 $0xFFFFFE60, s22;
	[tilespmem:v4+s18+$0x0] =	vst.idx.msk $0xffff, v3  }
0x136: {  	v2 =	vadd.s32 s24, v0;
	s24 =	sadd.s32 $0xFFFFFE70, s22;
	v1 =	vld [tilespmem:s23+$0x0]  }
0x137: {  	v4 =	vadd.s32 s24, v0;
	v3 =	vld [tilespmem:s23+$0x10];
	_ =	sdelay $0x3  }
0x138: {  	[tilespmem:v2+s18+$0x0] =	vst.idx.msk $0xffff, v1  }
0x139: {  	s24 =	sadd.s32 $0xFFFFFE80, s22;
	[tilespmem:v4+s18+$0x0] =	vst.idx.msk $0xffff, v3  }
0x13a: {  	v2 =	vadd.s32 s24, v0;
	s24 =	sadd.s32 $0xFFFFFE90, s22;
	v1 =	vld [tilespmem:s23+$0x20]  }
0x13b: {  	v4 =	vadd.s32 s24, v0;
	v3 =	vld [tilespmem:s23+$0x30];
	_ =	sdelay $0x3  }
0x13c: {  	[tilespmem:v2+s18+$0x0] =	vst.idx.msk $0xffff, v1  }
0x13d: {  	s24 =	sadd.s32 $0xFFFFFEA0, s22;
	[tilespmem:v4+s18+$0x0] =	vst.idx.msk $0xffff, v3  }
0x13e: {  	v2 =	vadd.s32 s24, v0;
	s24 =	sadd.s32 $0xFFFFFEB0, s22;
	v1 =	vld [tilespmem:s23+$0x40]  }
0x13f: {  	v4 =	vadd.s32 s24, v0;
	v3 =	vld [tilespmem:s23+$0x50];
	_ =	sdelay $0x3  }
0x140: {  	[tilespmem:v2+s18+$0x0] =	vst.idx.msk $0xffff, v1  }
0x141: {  	s24 =	sadd.s32 $0xFFFFFEC0, s22;
	[tilespmem:v4+s18+$0x0] =	vst.idx.msk $0xffff, v3  }
0x142: {  	v2 =	vadd.s32 s24, v0;
	s24 =	sadd.s32 $0xFFFFFED0, s22;
	v1 =	vld [tilespmem:s23+$0x60]  }
0x143: {  	v4 =	vadd.s32 s24, v0;
	v3 =	vld [tilespmem:s23+$0x70];
	_ =	sdelay $0x3  }
0x144: {  	[tilespmem:v2+s18+$0x0] =	vst.idx.msk $0xffff, v1  }
0x145: {  	s24 =	sadd.s32 $0xFFFFFEE0, s22;
	[tilespmem:v4+s18+$0x0] =	vst.idx.msk $0xffff, v3  }
0x146: {  	v2 =	vadd.s32 s24, v0;
	s24 =	sadd.s32 $0xFFFFFEF0, s22;
	v1 =	vld [tilespmem:s23+$0x80]  }
0x147: {  	v4 =	vadd.s32 s24, v0;
	v3 =	vld [tilespmem:s23+$0x90];
	_ =	sdelay $0x3  }
0x148: {  	[tilespmem:v2+s18+$0x0] =	vst.idx.msk $0xffff, v1  }
0x149: {  	s24 =	sadd.s32 $0xFFFFFF00, s22;
	[tilespmem:v4+s18+$0x0] =	vst.idx.msk $0xffff, v3  }
0x14a: {  	v2 =	vadd.s32 s24, v0;
	s24 =	sadd.s32 $0xFFFFFF10, s22;
	v1 =	vld [tilespmem:s23+$0xA0]  }
0x14b: {  	v4 =	vadd.s32 s24, v0;
	v3 =	vld [tilespmem:s23+$0xB0];
	_ =	sdelay $0x3  }
0x14c: {  	[tilespmem:v2+s18+$0x0] =	vst.idx.msk $0xffff, v1  }
0x14d: {  	s24 =	sadd.s32 $0xFFFFFF20, s22;
	[tilespmem:v4+s18+$0x0] =	vst.idx.msk $0xffff, v3  }
0x14e: {  	v2 =	vadd.s32 s24, v0;
	s24 =	sadd.s32 $0xFFFFFF30, s22;
	v1 =	vld [tilespmem:s23+$0xC0]  }
0x14f: {  	v4 =	vadd.s32 s24, v0;
	v3 =	vld [tilespmem:s23+$0xD0];
	_ =	sdelay $0x3  }
0x150: {  	[tilespmem:v2+s18+$0x0] =	vst.idx.msk $0xffff, v1  }
0x151: {  	s24 =	sadd.s32 $0xFFFFFF40, s22;
	[tilespmem:v4+s18+$0x0] =	vst.idx.msk $0xffff, v3  }
0x152: {  	v2 =	vadd.s32 s24, v0;
	s24 =	sadd.s32 $0xFFFFFF50, s22;
	v1 =	vld [tilespmem:s23+$0xE0]  }
0x153: {  	v4 =	vadd.s32 s24, v0;
	v3 =	vld [tilespmem:s23+$0xF0];
	_ =	sdelay $0x3  }
0x154: {  	[tilespmem:v2+s18+$0x0] =	vst.idx.msk $0xffff, v1  }
0x155: {  	s24 =	sadd.s32 $0xFFFFFF60, s22;
	[tilespmem:v4+s18+$0x0] =	vst.idx.msk $0xffff, v3  }
0x156: {  	v2 =	vadd.s32 s24, v0;
	s24 =	sadd.s32 $0xFFFFFF70, s22;
	v1 =	vld [tilespmem:s23+$0x100]  }
0x157: {  	v4 =	vadd.s32 s24, v0;
	v3 =	vld [tilespmem:s23+$0x110];
	_ =	sdelay $0x3  }
0x158: {  	[tilespmem:v2+s18+$0x0] =	vst.idx.msk $0xffff, v1  }
0x159: {  	s24 =	sadd.s32 $0xFFFFFF80, s22;
	[tilespmem:v4+s18+$0x0] =	vst.idx.msk $0xffff, v3  }
0x15a: {  	v2 =	vadd.s32 s24, v0;
	s24 =	sadd.s32 $0xFFFFFF90, s22;
	v1 =	vld [tilespmem:s23+$0x120]  }
0x15b: {  	v4 =	vadd.s32 s24, v0;
	v3 =	vld [tilespmem:s23+$0x130];
	_ =	sdelay $0x3  }
0x15c: {  	[tilespmem:v2+s18+$0x0] =	vst.idx.msk $0xffff, v1  }
0x15d: {  	s24 =	sadd.s32 $0xFFFFFFA0, s22;
	[tilespmem:v4+s18+$0x0] =	vst.idx.msk $0xffff, v3  }
0x15e: {  	v2 =	vadd.s32 s24, v0;
	s24 =	sadd.s32 $0xFFFFFFB0, s22;
	v1 =	vld [tilespmem:s23+$0x140]  }
0x15f: {  	v4 =	vadd.s32 s24, v0;
	v3 =	vld [tilespmem:s23+$0x150];
	_ =	sdelay $0x3  }
0x160: {  	[tilespmem:v2+s18+$0x0] =	vst.idx.msk $0xffff, v1  }
0x161: {  	s24 =	sadd.s32 $0xFFFFFFC0, s22;
	[tilespmem:v4+s18+$0x0] =	vst.idx.msk $0xffff, v3  }
0x162: {  	v2 =	vadd.s32 s24, v0;
	s24 =	sadd.s32 $0xFFFFFFD0, s22;
	v1 =	vld [tilespmem:s23+$0x160]  }
0x163: {  	v4 =	vadd.s32 s24, v0;
	v3 =	vld [tilespmem:s23+$0x170];
	_ =	sdelay $0x3  }
0x164: {  	[tilespmem:v2+s18+$0x0] =	vst.idx.msk $0xffff, v1  }
0x165: {  	s24 =	sadd.s32 $0xFFFFFFE0, s22;
	[tilespmem:v4+s18+$0x0] =	vst.idx.msk $0xffff, v3  }
0x166: {  	v2 =	vadd.s32 s24, v0;
	s24 =	sadd.s32 $0xFFFFFFF0, s22;
	v1 =	vld [tilespmem:s23+$0x180]  }
0x167: {  	v4 =	vadd.s32 s24, v0;
	v3 =	vld [tilespmem:s23+$0x190]  }
0x168: {  	v5 =	vadd.s32 s21, v0;
	_ =	sdelay $0x2  }
0x169: {  	[tilespmem:v2+s18+$0x0] =	vst.idx.msk $0xffff, v1  }
0x16a: {  	[tilespmem:v4+s18+$0x0] =	vst.idx.msk $0xffff, v3  }
0x16b: {  	v1 =	vld.idx.msk [tilespmem:v5+s12+$0x0], $0x1fff  }
.Ltmp1:
0x16c: {  	v2 =	vadd.s32 s22, v0;
	s22 =	smov.u32 s25;
	(pc) =	sbr.rel @p0 .LBB2_5-.Ltmp1, $2  }
0x16d: {  	_ =	sdelay $0x2  }
0x16e: {  	s24 =	smov.u32 s26;
	s23 =	sadd.s32 $0x340, s23  }
0x16f: {  	_ =	sdelay $0x3  }
0x170: {  	s24 =	sadd.s32 $0xFFFFFCC0, s22;
	[tilespmem:v2+s18+$0x0] =	vst.idx.msk $0x1fff, v1  }
0x171: {  	s28 =	sadd.s32 $0xFFFFFCD0, s22;
	v1 =	vld [tilespmem:s23+$0xFFFFFE60];
	v2 =	vadd.s32 s24, v0  }
0x172: {  	v3 =	vld [tilespmem:s23+$0xFFFFFE70];
	v4 =	vadd.s32 s28, v0;
	_ =	sdelay $0x3  }
0x173: {  	[tilespmem:v2+s18+$0x0] =	vst.idx.msk $0xffff, v1  }
0x174: {  	s25 =	sadd.s32 $0xFFFFFCE0, s22;
	[tilespmem:v4+s18+$0x0] =	vst.idx.msk $0xffff, v3  }
0x175: {  	s26 =	sadd.s32 $0xFFFFFCF0, s22;
	v2 =	vadd.s32 s25, v0;
	v1 =	vld [tilespmem:s23+$0xFFFFFE80]  }
0x176: {  	v39 =	vadd.s32 s26, v0;
	v3 =	vld [tilespmem:s23+$0xFFFFFE90];
	_ =	sdelay $0x3  }
0x177: {  	[tilespmem:v2+s18+$0x0] =	vst.idx.msk $0xffff, v1  }
0x178: {  	s28 =	sadd.s32 $0xFFFFFD00, s22;
	[tilespmem:v39+s18+$0x0] =	vst.idx.msk $0xffff, v3  }
0x179: {  	s25 =	sadd.s32 $0xFFFFFD10, s22;
	v2 =	vadd.s32 s28, v0;
	v1 =	vld [tilespmem:s23+$0xFFFFFEA0]  }
0x17a: {  	v40 =	vadd.s32 s25, v0;
	v3 =	vld [tilespmem:s23+$0xFFFFFEB0];
	_ =	sdelay $0x3  }
0x17b: {  	[tilespmem:v2+s18+$0x0] =	vst.idx.msk $0xffff, v1  }
0x17c: {  	s26 =	sadd.s32 $0xFFFFFD20, s22;
	[tilespmem:v40+s18+$0x0] =	vst.idx.msk $0xffff, v3  }
0x17d: {  	s28 =	sadd.s32 $0xFFFFFD30, s22;
	v2 =	vadd.s32 s26, v0;
	v1 =	vld [tilespmem:s23+$0xFFFFFEC0]  }
0x17e: {  	v41 =	vadd.s32 s28, v0;
	v3 =	vld [tilespmem:s23+$0xFFFFFED0];
	_ =	sdelay $0x3  }
0x17f: {  	[tilespmem:v2+s18+$0x0] =	vst.idx.msk $0xffff, v1  }
0x180: {  	s25 =	sadd.s32 $0xFFFFFD40, s22;
	[tilespmem:v41+s18+$0x0] =	vst.idx.msk $0xffff, v3  }
0x181: {  	s26 =	sadd.s32 $0xFFFFFD50, s22;
	v2 =	vadd.s32 s25, v0;
	v1 =	vld [tilespmem:s23+$0xFFFFFEE0]  }
0x182: {  	v42 =	vadd.s32 s26, v0;
	v3 =	vld [tilespmem:s23+$0xFFFFFEF0];
	_ =	sdelay $0x3  }
0x183: {  	[tilespmem:v2+s18+$0x0] =	vst.idx.msk $0xffff, v1  }
0x184: {  	s28 =	sadd.s32 $0xFFFFFD60, s22;
	[tilespmem:v42+s18+$0x0] =	vst.idx.msk $0xffff, v3  }
0x185: {  	s25 =	sadd.s32 $0xFFFFFD70, s22;
	v2 =	vadd.s32 s28, v0;
	v1 =	vld [tilespmem:s23+$0xFFFFFF00]  }
0x186: {  	v43 =	vadd.s32 s25, v0;
	v3 =	vld [tilespmem:s23+$0xFFFFFF10];
	_ =	sdelay $0x3  }
0x187: {  	[tilespmem:v2+s18+$0x0] =	vst.idx.msk $0xffff, v1  }
0x188: {  	s26 =	sadd.s32 $0xFFFFFD80, s22;
	[tilespmem:v43+s18+$0x0] =	vst.idx.msk $0xffff, v3  }
0x189: {  	s28 =	sadd.s32 $0xFFFFFD90, s22;
	v2 =	vadd.s32 s26, v0;
	v1 =	vld [tilespmem:s23+$0xFFFFFF20]  }
0x18a: {  	v44 =	vadd.s32 s28, v0;
	v3 =	vld [tilespmem:s23+$0xFFFFFF30];
	_ =	sdelay $0x3  }
0x18b: {  	[tilespmem:v2+s18+$0x0] =	vst.idx.msk $0xffff, v1  }
0x18c: {  	s25 =	sadd.s32 $0xFFFFFDA0, s22;
	[tilespmem:v44+s18+$0x0] =	vst.idx.msk $0xffff, v3  }
0x18d: {  	s26 =	sadd.s32 $0xFFFFFDB0, s22;
	v2 =	vadd.s32 s25, v0;
	v1 =	vld [tilespmem:s23+$0xFFFFFF40]  }
0x18e: {  	v45 =	vadd.s32 s26, v0;
	v3 =	vld [tilespmem:s23+$0xFFFFFF50];
	_ =	sdelay $0x3  }
0x18f: {  	[tilespmem:v2+s18+$0x0] =	vst.idx.msk $0xffff, v1  }
0x190: {  	s28 =	sadd.s32 $0xFFFFFDC0, s22;
	[tilespmem:v45+s18+$0x0] =	vst.idx.msk $0xffff, v3  }
0x191: {  	s25 =	sadd.s32 $0xFFFFFDD0, s22;
	v2 =	vadd.s32 s28, v0;
	v1 =	vld [tilespmem:s23+$0xFFFFFF60]  }
0x192: {  	v46 =	vadd.s32 s25, v0;
	v3 =	vld [tilespmem:s23+$0xFFFFFF70];
	_ =	sdelay $0x3  }
0x193: {  	[tilespmem:v2+s18+$0x0] =	vst.idx.msk $0xffff, v1  }
0x194: {  	s26 =	sadd.s32 $0xFFFFFDE0, s22;
	[tilespmem:v46+s18+$0x0] =	vst.idx.msk $0xffff, v3  }
0x195: {  	s28 =	sadd.s32 $0xFFFFFDF0, s22;
	v2 =	vadd.s32 s26, v0;
	v1 =	vld [tilespmem:s23+$0xFFFFFF80]  }
0x196: {  	v47 =	vadd.s32 s28, v0;
	v3 =	vld [tilespmem:s23+$0xFFFFFF90];
	_ =	sdelay $0x3  }
0x197: {  	[tilespmem:v2+s18+$0x0] =	vst.idx.msk $0xffff, v1  }
0x198: {  	s25 =	sadd.s32 $0xFFFFFE00, s22;
	[tilespmem:v47+s18+$0x0] =	vst.idx.msk $0xffff, v3  }
0x199: {  	s26 =	sadd.s32 $0xFFFFFE10, s22;
	v2 =	vadd.s32 s25, v0;
	v1 =	vld [tilespmem:s23+$0xFFFFFFA0]  }
0x19a: {  	v48 =	vadd.s32 s26, v0;
	v3 =	vld [tilespmem:s23+$0xFFFFFFB0];
	_ =	sdelay $0x3  }
0x19b: {  	[tilespmem:v2+s18+$0x0] =	vst.idx.msk $0xffff, v1  }
0x19c: {  	s28 =	sadd.s32 $0xFFFFFE20, s22;
	[tilespmem:v48+s18+$0x0] =	vst.idx.msk $0xffff, v3  }
0x19d: {  	s25 =	sadd.s32 $0xFFFFFE30, s22;
	v2 =	vadd.s32 s28, v0;
	v1 =	vld [tilespmem:s23+$0xFFFFFFC0]  }
0x19e: {  	v49 =	vadd.s32 s25, v0;
	v3 =	vld [tilespmem:s23+$0xFFFFFFD0];
	_ =	sdelay $0x3  }
0x19f: {  	[tilespmem:v2+s18+$0x0] =	vst.idx.msk $0xffff, v1  }
0x1a0: {  	s26 =	sadd.s32 $0xFFFFFE40, s22;
	[tilespmem:v49+s18+$0x0] =	vst.idx.msk $0xffff, v3  }
0x1a1: {  	s28 =	sadd.s32 $0xFFFFFE50, s22;
	v2 =	vadd.s32 s26, v0;
	v1 =	vld [tilespmem:s23+$0xFFFFFFE0]  }
0x1a2: {  	v50 =	vadd.s32 s28, v0;
	v3 =	vld [tilespmem:s23+$0xFFFFFFF0];
	_ =	sdelay $0x3  }
0x1a3: {  	[tilespmem:v2+s18+$0x0] =	vst.idx.msk $0xffff, v1  }
0x1a4: {  	s25 =	sadd.s32 $0xFFFFFE60, s22;
	[tilespmem:v50+s18+$0x0] =	vst.idx.msk $0xffff, v3  }
0x1a5: {  	s26 =	sadd.s32 $0xFFFFFE70, s22;
	v2 =	vadd.s32 s25, v0;
	v1 =	vld [tilespmem:s23+$0x0]  }
0x1a6: {  	v51 =	vadd.s32 s26, v0;
	v3 =	vld [tilespmem:s23+$0x10];
	_ =	sdelay $0x3  }
0x1a7: {  	[tilespmem:v2+s18+$0x0] =	vst.idx.msk $0xffff, v1  }
0x1a8: {  	s28 =	sadd.s32 $0xFFFFFE80, s22;
	[tilespmem:v51+s18+$0x0] =	vst.idx.msk $0xffff, v3  }
0x1a9: {  	s25 =	sadd.s32 $0xFFFFFE90, s22;
	v2 =	vadd.s32 s28, v0;
	v1 =	vld [tilespmem:s23+$0x20]  }
0x1aa: {  	v52 =	vadd.s32 s25, v0;
	v3 =	vld [tilespmem:s23+$0x30];
	_ =	sdelay $0x3  }
0x1ab: {  	[tilespmem:v2+s18+$0x0] =	vst.idx.msk $0xffff, v1  }
0x1ac: {  	s26 =	sadd.s32 $0xFFFFFEA0, s22;
	[tilespmem:v52+s18+$0x0] =	vst.idx.msk $0xffff, v3  }
0x1ad: {  	s28 =	sadd.s32 $0xFFFFFEB0, s22;
	v2 =	vadd.s32 s26, v0;
	v1 =	vld [tilespmem:s23+$0x40]  }
0x1ae: {  	v53 =	vadd.s32 s28, v0;
	v3 =	vld [tilespmem:s23+$0x50];
	_ =	sdelay $0x3  }
0x1af: {  	[tilespmem:v2+s18+$0x0] =	vst.idx.msk $0xffff, v1  }
0x1b0: {  	s25 =	sadd.s32 $0xFFFFFEC0, s22;
	[tilespmem:v53+s18+$0x0] =	vst.idx.msk $0xffff, v3  }
0x1b1: {  	s26 =	sadd.s32 $0xFFFFFED0, s22;
	v2 =	vadd.s32 s25, v0;
	v1 =	vld [tilespmem:s23+$0x60]  }
0x1b2: {  	v54 =	vadd.s32 s26, v0;
	v3 =	vld [tilespmem:s23+$0x70];
	_ =	sdelay $0x3  }
0x1b3: {  	[tilespmem:v2+s18+$0x0] =	vst.idx.msk $0xffff, v1  }
0x1b4: {  	s28 =	sadd.s32 $0xFFFFFEE0, s22;
	[tilespmem:v54+s18+$0x0] =	vst.idx.msk $0xffff, v3  }
0x1b5: {  	s25 =	sadd.s32 $0xFFFFFEF0, s22;
	v2 =	vadd.s32 s28, v0;
	v1 =	vld [tilespmem:s23+$0x80]  }
0x1b6: {  	v55 =	vadd.s32 s25, v0;
	v3 =	vld [tilespmem:s23+$0x90];
	_ =	sdelay $0x3  }
0x1b7: {  	[tilespmem:v2+s18+$0x0] =	vst.idx.msk $0xffff, v1  }
0x1b8: {  	s26 =	sadd.s32 $0xFFFFFF00, s22;
	[tilespmem:v55+s18+$0x0] =	vst.idx.msk $0xffff, v3  }
0x1b9: {  	s28 =	sadd.s32 $0xFFFFFF10, s22;
	v2 =	vadd.s32 s26, v0;
	v1 =	vld [tilespmem:s23+$0xA0]  }
0x1ba: {  	v56 =	vadd.s32 s28, v0;
	v3 =	vld [tilespmem:s23+$0xB0];
	_ =	sdelay $0x3  }
0x1bb: {  	[tilespmem:v2+s18+$0x0] =	vst.idx.msk $0xffff, v1  }
0x1bc: {  	s25 =	sadd.s32 $0xFFFFFF20, s22;
	[tilespmem:v56+s18+$0x0] =	vst.idx.msk $0xffff, v3  }
0x1bd: {  	s26 =	sadd.s32 $0xFFFFFF30, s22;
	v2 =	vadd.s32 s25, v0;
	v1 =	vld [tilespmem:s23+$0xC0]  }
0x1be: {  	v57 =	vadd.s32 s26, v0;
	v3 =	vld [tilespmem:s23+$0xD0];
	_ =	sdelay $0x3  }
0x1bf: {  	[tilespmem:v2+s18+$0x0] =	vst.idx.msk $0xffff, v1  }
0x1c0: {  	s28 =	sadd.s32 $0xFFFFFF40, s22;
	[tilespmem:v57+s18+$0x0] =	vst.idx.msk $0xffff, v3  }
0x1c1: {  	s25 =	sadd.s32 $0xFFFFFF50, s22;
	v2 =	vadd.s32 s28, v0;
	v1 =	vld [tilespmem:s23+$0xE0]  }
0x1c2: {  	v58 =	vadd.s32 s25, v0;
	v3 =	vld [tilespmem:s23+$0xF0];
	_ =	sdelay $0x3  }
0x1c3: {  	[tilespmem:v2+s18+$0x0] =	vst.idx.msk $0xffff, v1  }
0x1c4: {  	s26 =	sadd.s32 $0xFFFFFF60, s22;
	[tilespmem:v58+s18+$0x0] =	vst.idx.msk $0xffff, v3  }
0x1c5: {  	s28 =	sadd.s32 $0xFFFFFF70, s22;
	v2 =	vadd.s32 s26, v0;
	v1 =	vld [tilespmem:s23+$0x100]  }
0x1c6: {  	v59 =	vadd.s32 s28, v0;
	v3 =	vld [tilespmem:s23+$0x110];
	_ =	sdelay $0x3  }
0x1c7: {  	[tilespmem:v2+s18+$0x0] =	vst.idx.msk $0xffff, v1  }
0x1c8: {  	s25 =	sadd.s32 $0xFFFFFF80, s22;
	[tilespmem:v59+s18+$0x0] =	vst.idx.msk $0xffff, v3  }
0x1c9: {  	s26 =	sadd.s32 $0xFFFFFF90, s22;
	v2 =	vadd.s32 s25, v0;
	v1 =	vld [tilespmem:s23+$0x120]  }
0x1ca: {  	v60 =	vadd.s32 s26, v0;
	v3 =	vld [tilespmem:s23+$0x130];
	_ =	sdelay $0x3  }
0x1cb: {  	[tilespmem:v2+s18+$0x0] =	vst.idx.msk $0xffff, v1  }
0x1cc: {  	s28 =	sadd.s32 $0xFFFFFFA0, s22;
	[tilespmem:v60+s18+$0x0] =	vst.idx.msk $0xffff, v3  }
0x1cd: {  	s25 =	sadd.s32 $0xFFFFFFB0, s22;
	v2 =	vadd.s32 s28, v0;
	v1 =	vld [tilespmem:s23+$0x140]  }
0x1ce: {  	v61 =	vadd.s32 s25, v0;
	v3 =	vld [tilespmem:s23+$0x150];
	_ =	sdelay $0x3  }
0x1cf: {  	[tilespmem:v2+s18+$0x0] =	vst.idx.msk $0xffff, v1  }
0x1d0: {  	s26 =	sadd.s32 $0xFFFFFFC0, s22;
	[tilespmem:v61+s18+$0x0] =	vst.idx.msk $0xffff, v3  }
0x1d1: {  	s28 =	sadd.s32 $0xFFFFFFD0, s22;
	v2 =	vadd.s32 s26, v0;
	v1 =	vld [tilespmem:s23+$0x160]  }
0x1d2: {  	v62 =	vadd.s32 s28, v0;
	v3 =	vld [tilespmem:s23+$0x170];
	_ =	sdelay $0x3  }
0x1d3: {  	[tilespmem:v2+s18+$0x0] =	vst.idx.msk $0xffff, v1  }
0x1d4: {  	s25 =	sadd.s32 $0xFFFFFFE0, s22;
	[tilespmem:v62+s18+$0x0] =	vst.idx.msk $0xffff, v3  }
0x1d5: {  	s26 =	sadd.s32 $0xFFFFFFF0, s22;
	v2 =	vadd.s32 s25, v0;
	v1 =	vld [tilespmem:s23+$0x180]  }
0x1d6: {  	s21 =	sadd.s32 $0xD, s21;
	v63 =	vadd.s32 s26, v0;
	v3 =	vld [tilespmem:s23+$0x190]  }
0x1d7: {  	v5 =	vadd.s32 s21, v0;
	_ =	sdelay $0x2  }
0x1d8: {  	[tilespmem:v2+s18+$0x0] =	vst.idx.msk $0xffff, v1  }
0x1d9: {  	[tilespmem:v63+s18+$0x0] =	vst.idx.msk $0xffff, v3  }
0x1da: {  	v2 =	vadd.s32 s22, v0;
	v1 =	vld.idx.msk [tilespmem:v5+s12+$0x0], $0x1fff;
	_ =	sdelay $0x1  }
0x1db: {  	s20 =	smul.u32 $0x34D, s20  }
0x1dc: {  	s19 =	sadd.s32 $0x1, s19  }
0x1dd: {  	p0 =	sne.s32 s19, $0x8;
	s20 =	sshrl.u32 s20, $0x3;
	s28 =	rddreg [dreg:$0x1]  }
.Ltmp2:
0x1de: {  	s20 =	sadd.s32 s28, s20;
	[tilespmem:v2+s18+$0x0] =	vst.idx.msk $0x1fff, v1;
	(pc) =	sbr.rel @p0 .LBB2_2-.Ltmp2, $4  }
0x1df: {  	[hbm4b:s20+s2] =	stream.linear.scatter [tilespmem:s18], [sflag:$0x2], $0xD340, $0x38;
	[tilespmem:$0x1BA10] =	vst v63  }
0x1e0: {  	_ =	swait.ge [sflag:s11], $0xD340  }
0x1e1: {  	[sflag:s11] =	ssyncset.done $0x0  }
0x1e2: {  	[sflag:s11] =	ssyncadd.s32 $0xFFFF2CC0  }
0x1e3: {  	s20 =	rddreg [dreg:$0x5]  }
0x1e4: {  	s19 =	rddreg [dreg:$0x4];
	s20 =	sadd.s32 $0x1, s20  }
0x1e5: {  	p0 =	sne.s32 s20, s19  }
.Ltmp3:
0x1e6: {  	_ = 	snop;
	(pc) =	sbr.rel @p0 .LBB2_1-.Ltmp3, $1  }
0x1e7: {  	_ =	sdelay $0x3  }
0x1e8: {  	_ =	sfence.sel $0x180000  }
0x1e9: {  	[bflag:$0x0] =	sbarrier.arrive $0xFFFF  }
0x1ea: {  	_ =	strace $0x90000047  }
0x1eb: {  	s0 =	stileid.u32;
	[bflag:$0x2] =	sbarrier.arrive $0xFFFF  }
0x1ec: {  	p0 =	sne.s32 s0, $0x0;
	s0 =	rddreg [dreg:$0x2]  }
0x1ed: {  	s0 =	sadd.s32 @!p0 $0x100000, s0  }
0x1ee: {  	[sflag:s0] =	ssyncadd.tile.s32 @!p0 $0x1;
	_ =	shalt  }
.Lfunc_end2:
_tile_overlayer_lowered:
.L_overlay_start_2:
0x1ef: {  	(tag) =	ssettag $0x2  }
0x1f0: {  	s0 =	rddreg [dreg:$0x0];
	s2 =	stileid.u32  }
0x1f1: {  	s1 =	rddreg [dreg:$0x1];
	p0 =	sne.s32 s2, $0x0  }
0x1f2: {  	s3 =	rddreg [dreg:$0x2];
	[bflag:$0x3] =	sbarrier.arrive $0xFFFF;
	s2 =	simm.s32 @!p0 $0x1C02  }
0x1f3: {  	[timem:s3], [sflag:s2] =	dma.local @!p0 [hbm:s0], s1  }
0x1f4: {  	s0 =	simm.s32 @!p0 $0x2  }
0x1f5: {  	_ =	swait.ge @!p0 [sflag:s0], s1  }
0x1f6: {  	s1 =	ssub.s32 @!p0 $0x0, s1;
	[sflag:s0] =	ssyncset.done @!p0 $0x0  }
0x1f7: {  	[sflag:s0] =	ssyncadd.s32 @!p0 s1  }
0x1f8: {  	[bflag:$0x3] =	sbarrier.arrive $0xFFFF  }
0x1f9: {  	_ =	shalt  }

// kernel: sparse-core-data-format-call.cloned.1.call-start
scs
called_computation_lowered:
.L_overlay_start_0:
0x0: {  	s2 =	sld [smem:$0x3FD9]  }
0x1: {  	s3 =	sld [smem:$0x3FFE];
	_ =	sdelay $0x1  }
0x2: {  	s1 =	srdreg.scid  }
0x3: {  	s0 =	sand.u32 $0x1, s1  }
0x4: {  	s18 =	sshll.u32 s0, $0xA;
	s2 =	sadd.s32 s3, s2  }
0x5: {  	s2 =	sadd.s32 s2, s18  }
0x6: {  	[smem:$0x3FC5] =	sst s2  }
0x7: {  	_ = 	snop  }
0x8: {  	s2 =	sld [smem:$0x3FD0];
	(tm) =	ssettm $0x1  }
0x9: {  	s19 =	sld [smem:$0x3FFB];
	_ =	sdelay $0x3  }
0xa: {  	_ =	strace s19  }
0xb: {  	s3 =	sld [smem:$0x3FFC];
	_ =	sdelay $0x3  }
0xc: {  	_ =	strace s3  }
0xd: {  	s3 =	sld [smem:$0x3FFD];
	_ =	sdelay $0x3  }
0xe: {  	_ =	strace s3  }
0xf: {  	_ =	strace $0x8FFFFFFF  }
0x10: {  	s20 =	sld [smem:$0x3FDB];
	_ =	sdelay $0x1  }
0x11: {  	s4 =	simm.s32 $_scs_section_size  }
0x12: {  	s5 =	simm.s32 $_size__tile_overlayer_lowered;
	s6 =	simm.s32 $_tile_overlayer_lowered  }
0x13: {  	s23 =	simm.s32 $0x1BFF;
	s22 =	sshll.u32 s6, $0x1;
	s3 =	sadd.s32 s4, s20  }
0x14: {  	s7 =	simm.s32 $0x0;
	s21 =	sshll.u32 s5, $0x1;
	s5 =	sadd.s32 s22, s3  }
0x15: {  	[timem:s7], [sflag:s23] =	dma.local [hbm:s5], s21  }
0x16: {  	_ =	swait.ge [sflag:s23], s21  }
0x17: {  	s4 =	ssub.s32 $0x0, s21;
	[sflag:s23] =	ssyncset.done $0x0  }
0x18: {  	[sflag:s23] =	ssyncadd.s32 s4;
	_ =	sdelay $0x1  }
0x19: {  	s24 =	simm.s32 $0x1B8B  }
0x1a: {  	_ =	swait.ge [sflag:s24], $0x1  }
0x1b: {  	[sflag:s24] =	ssyncset.done $0x0  }
0x1c: {  	s26 =	simm.s32 $0x1B8E;
	s25 =	sld [smem:$0x3FFE];
	[sflag:s24] =	ssyncadd.s32 $0xFFFFFFFF  }
0x1d: {  	s27 =	simm.s32 $execute0_lowered;
	[smem:$0x3FD2] =	sst s26  }
0x1e: {  	s5 =	sshll.u32 s27, $0x1;
	_ =	strace $0x80000049;
	[dreg:$0x1] =	wrdreg $0xFFFFFFFF  }
0x1f: {  	s28 =	simm.s32 $_size_execute0_lowered;
	s3 =	sadd.s32 s3, s5;
	[dreg:$0x0] =	wrdreg $0x0  }
0x20: {  	s5 =	sshll.u32 s28, $0x1;
	[dreg:$0x2] =	wrdreg s3  }
0x21: {  	[dreg:$0x3] =	wrdreg s5  }
0x22: {  	[dreg:$0x4] =	wrdreg $0xC0  }
0x23: {  	_ =	task [dreg:s7], $0x5FFFF  }
0x24: {  	[dreg:$0x1] =	wrdreg $0xFFFFFFFF  }
0x25: {  	[dreg:$0x0] =	wrdreg $0x60  }
0x26: {  	[dreg:$0x2] =	wrdreg s25  }
0x27: {  	[dreg:$0x3] =	wrdreg s2  }
0x28: {  	[dreg:$0x4] =	wrdreg $0x9  }
0x29: {  	_ =	task.clear_ibuf [dreg:s7], $0x5FFFF;
	_ =	strace $0x90000049  }
0x2a: {  	s29 =	simm.s32 $0x9;
	_ =	strace $0x8000004B  }
0x2b: {  	_ =	swait.ge [sflag:s29], $0x1  }
0x2c: {  	[sflag:s29] =	ssyncadd.s32 $0xFFFFFFFF  }
0x2d: {  	_ =	strace $0x9000004B  }
0x2e: {  	_ =	sfence  }
0x2f: {  	s30 =	sld [smem:$0x0];
	_ =	sdelay $0x2  }
0x30: {  	s31 =	sshll.u32 s1, $0xD;
	s1 =	sshrl.u32 s1, $0x2  }
0x31: {  	s3 =	sand.u32 $0x4000, s31;
	s1 =	sadd.s32 s1, s30  }
0x32: {  	s0 =	sor.u32 s3, s0;
	s1 =	sshll.u32 s1, $0x11  }
0x33: {  	s0 =	sor.u32 s1, s0  }
0x34: {  	s0 =	sadd.s32 $0x8F2B, s0  }
0x35: {  	[sflag:s0] =	ssyncadd.remote.s32 $0x1  }
0x36: {  	_ =	sfence.sel $0xFFFF  }
0x37: {  	[dreg:$0x0] =	wrdreg $0xFFFFFFFF;
	(pc) =	sbr.abs _section_cstart, $3  }
0x38: {  	[dreg:$0x1] =	wrdreg $0xFFFFFFFF  }
0x39: {  	_ =	task.clear_ibuf [dreg:s7], $0x2FFFF;
	_ =	strace $0x9FFFFFFF  }
0x3a: {  	(tm) =	ssettm $0x7FFFFFFF  }
0x3b: {  	_ =	shalt  }
tec
execute0_lowered:
.L_overlay_start_1:
0x0: {  	(tag) =	ssettag $0x1  }
0x1: {  	s0 =	srdreg.scid  }
0x2: {  	s1 =	sshll.u32 s0, $0x4  }
0x3: {  	s6 =	rddreg [dreg:$0x0];
	s0 =	stileid.u32;
	s1 =	sand.u32 $0x10, s1  }
0x4: {  	s3 =	rddreg [dreg:$0x1];
	s1 =	sor.u32 s0, s1  }
0x5: {  	s5 =	simm.s32 $0x1;
	s31 =	simm.s32 $0x2;
	s2 =	sshll.u32 s1, $0x7  }
0x6: {  	s15 =	simm.s32 $0x0;
	s8 =	simm.s32 $0x20000;
	s4 =	ssub.s32 $0x4000, s2  }
0x7: {  	s14 =	simm.s32 $0x0;
	s9 =	simm.s32 $0x0;
	s30 =	sand.u32 $0xF80, s4  }
0x8: {  	s10 =	simm.s32 $0x0;
	s11 =	simm.s32 $0x0;
	p0 =	sne.s32 s30, $0x0  }
.Ltmp0:
0x9: {  	s7 =	sshrl.u32 s4, $0xC;
	s5 =	simm.s32 @!p0 $0x0;
	(pc) =	sbr.rel .LBB1_1-.Ltmp0, $4  }
0xa: {  	s13 =	simm.s32 $0x0;
	s1 =	rddreg [dreg:$0x2];
	s5 =	sadd.s32 s5, s7  }
0xb: {  	_ =	strace $0x8000004A;
	s4 =	simm.s32 $0x1;
	s5 =	smul.u32 $0x7, s5  }
0xc: {  	s6 =	sadd.s32 $0xE00, s6;
	s12 =	smov.u32 s2;
	[sflag:s4] =	ssyncpa.u1 $0x0  }
0xd: {  	[sflag:s31] =	ssyncpa.u1 $0x0;
	p0 =	por $0x0, $0x0;
	s7 =	sadd.s32 $0x1, s5  }
.LBB1_4:
0xe: {  	s20 =	sshra.s32 s20, $0x2  }
0xf: {  	s28 =	sand.u32 $0x78, s10;
	s21 =	sshll.u32 s9, $0xE;
	s22 =	sshll.u32 s10, $0x3  }
0x10: {  	s24 =	sshll.u32 s9, $0x7;
	p1 =	sgt.s32 s9, $0x2D0;
	s30 =	sshra.s32 s9, $0x1F  }
0x11: {  	s26 =	sshra.s32 s10, $0x1F;
	s19 =	sadd.s32 s20, s19;
	s21 =	sand.u32 $0xFFFE0000, s21  }
0x12: {  	v5 =	vld [tilespmem:s17+$0xFFFFFFD0];
	[tilespmem:s18+$0x2040 ss:$0x81] =	vst.msk $0xffff, v4;
	s23 =	sand.u32 $0xFFFFFC00, s22;
	s29 =	sand.u32 $0x380, s24;
	s22 =	sand.u32 $0x3C00, s22  }
0x13: {  	v58 =	vld [tilespmem:s17+$0xFFFFFFE0];
	[tilespmem:s18+$0x2850 ss:$0x81] =	vst.msk $0xffff, v3;
	s21 =	sadd.s32 s23, s21;
	s20 =	sor.u32 s28, s22;
	s22 =	smov.u32 s9  }
0x14: {  	v59 =	vld [tilespmem:s17+$0xFFFFFFF0];
	[tilespmem:s18+$0x3060 ss:$0x81] =	vst.msk $0xffff, v2;
	s24 =	sand.u32 s30, s9;
	s21 =	sshrl.u32 s21, $0xE;
	s22 =	simm.s32 @!p1 $0x2D0  }
0x15: {  	v60 =	vld [tilespmem:s17+$0x0];
	[tilespmem:s18+$0x0 ss:$0x81] =	vst.msk $0xffff, v1;
	p1 =	sgt.s32 s10, $0x3F80;
	s31 =	ssub.s32 s22, s24;
	s22 =	smov.u32 s10  }
0x16: {  	v61 =	vld [tilespmem:s17+$0x10];
	[tilespmem:s19+$0x3870 ss:$0x81] =	vst.msk $0xffff, v0;
	s25 =	smulhi.u32 $0x4D4874, s21;
	s24 =	sand.u32 s26, s10;
	s22 =	simm.s32 @!p1 $0x3F80  }
0x17: {  	v62 =	vld [tilespmem:s17+$0x20];
	s20 =	sor.u32 s29, s20;
	[tilespmem:s19+$0x810 ss:$0x81] =	vst.msk $0xffff, v5;
	s27 =	sadd.s32 $0xFFFFFD30, s31;
	s22 =	ssub.s32 s22, s24  }
0x18: {  	v63 =	vld [tilespmem:s17+$0xFFFFFFC0];
	[tilespmem:s19+$0x1020 ss:$0x81] =	vst.msk $0xffff, v58;
	s18 =	ssub.s32 $0x350, s31;
	s28 =	smul.u32 $0x350, s25;
	s29 =	sadd.s32 $0xFFFFC080, s22  }
0x19: {  	[tilespmem:s19+$0x1830 ss:$0x81] =	vst.msk $0xffff, v59;
	p1 =	sgt.s32 s27, $0x7F;
	s22 =	ssub.s32 $0x4000, s22;
	p2 =	sgt.s32 s29, $0x7F  }
0x1a: {  	s30 =	sand.u32 $0x7, s10;
	[tilespmem:s19+$0x2040 ss:$0x81] =	vst.msk $0xffff, v60;
	s18 =	simm.s32 @p1 $0x0;
	s22 =	simm.s32 @p2 $0x0  }
0x1b: {  	s20 =	sshrl.u32 s20, $0x3;
	[tilespmem:s19+$0x2850 ss:$0x81] =	vst.msk $0xffff, v61;
	s17 =	ssub.s32 s21, s28;
	s18 =	smul.u32 s22, s18  }
0x1c: {  	[tilespmem:s19+$0x3060 ss:$0x81] =	vst.msk $0xffff, v62;
	s20 =	sadd.s32 s3, s20;
	s21 =	sshll.u32 s30, $0x12;
	s17 =	sshll.u32 s17, $0xB  }
0x1d: {  	[tilespmem:s19+$0x0 ss:$0x81] =	vst.msk $0xffff, v63;
	s31 =	sor.u32 $0x400, s21;
	s17 =	sadd.s32 s17, s20;
	s18 =	sand.u32 $0x3FFFFFFF, s18  }
0x1e: {  	[hbm4b:s17+s31] =	stream.strided.scatter [tilespmem:s16], [sflag:$0x2], s18, s8, s31, $0x20;
	[tilespmem:$0x10100] =	vst v63  }
.LBB1_5:
0x1f: {  	p1 =	slt.u32 s13, $0x2  }
0x20: {  	s17 =	smov.u32 s15;
	p2 =	sgt.s32 @!p1 s15, $0x2D0;
	s16 =	sshra.s32 @!p1 s15, $0x1F  }
0x21: {  	p3 =	sgt.s32 @!p1 s14, $0x3F80;
	s18 =	sshra.s32 @!p1 s14, $0x1F;
	p2 =	por !p2, p1  }
0x22: {  	s15 =	sand.u32 @!p1 s16, s15;
	p3 =	por !p3, p1;
	s16 =	smov.u32 s14  }
0x23: {  	s14 =	sand.u32 @!p1 s18, s14;
	s17 =	simm.s32 @p2 $0x2D0;
	s16 =	simm.s32 @p3 $0x3F80  }
0x24: {  	s15 =	ssub.s32 @!p1 s17, s15;
	s14 =	ssub.s32 @!p1 s16, s14  }
0x25: {  	s18 =	smov.u32 s12;
	s16 =	sadd.s32 @!p1 $0xFFFFFD30, s15;
	s17 =	sadd.s32 @!p1 $0xFFFFC080, s14  }
0x26: {  	s15 =	ssub.s32 @!p1 $0x350, s15;
	p2 =	sgt.s32 @!p1 s16, $0x7F;
	p3 =	sgt.s32 @!p1 s17, $0x7F  }
0x27: {  	s14 =	ssub.s32 @!p1 $0x4000, s14;
	p2 =	por !p2, p1;
	p3 =	por !p3, p1  }
0x28: {  	s16 =	sadd.s32 $0x80, s11;
	s15 =	simm.s32 @!p2 $0x0;
	s14 =	simm.s32 @!p3 $0x0  }
0x29: {  	p2 =	sgt.s32 s16, $0x34C;
	s14 =	smul.u32 @!p1 s14, s15;
	s15 =	sadd.s32 $0x1000, s12  }
0x2a: {  	s18 =	smov.u32 @p2 s15  }
0x2b: {  	s16 =	simm.s32 @p2 $0x0;
	p2 =	sgt.s32 s18, $0x3FFF  }
0x2c: {  	s18 =	smov.u32 @p2 s2;
	p2 =	sne.s32 s13, s7  }
.Ltmp1:
0x2d: {  	p0 =	por !p0, !p0;
	s17 =	simm.s32 @!p1 $0x2;
	(pc) =	sbr.rel @!p2 .LBB1_6-.Ltmp1, $4  }
0x2e: {  	s15 =	smov.u32 s9;
	s9 =	smov.u32 s11;
	s14 =	sand.u32 @!p1 $0x3FFFFFFF, s14  }
0x2f: {  	s11 =	smov.u32 s16;
	_ =	swait.ge @!p1 [sflag:s17], s14;
	s19 =	ssub.s32 @!p1 $0x0, s14  }
0x30: {  	s14 =	smov.u32 s10;
	s13 =	sadd.s32 $0x1, s13;
	[sflag:s17] =	ssyncset.done @!p1 $0x0  }
0x31: {  	s10 =	smov.u32 s12;
	s12 =	smov.u32 s18;
	[sflag:s17] =	ssyncadd.s32 @!p1 s19  }
.LBB1_1:
0x32: {  	p1 =	sge.u32 s13, s5  }
0x33: {  	s16 =	sshrl.u32 @!p1 s12, $0x3  }
0x34: {  	s17 =	sshll.u32 @!p1 s11, $0x3;
	s16 =	smul.u32 @!p1 $0x1C00, s16  }
0x35: {  	s18 =	sshll.u32 @!p1 s12, $0x7;
	s17 =	sand.u32 @!p1 $0xFFFFFC00, s17  }
0x36: {  	s16 =	sadd.s32 @!p1 s16, s17;
	s17 =	sand.u32 @!p1 $0x380, s18  }
0x37: {  	s16 =	sor.u32 @!p1 s17, s16  }
0x38: {  	s17 =	sshrl.u32 @!p1 s16, $0x7  }
0x39: {  	s17 =	smulhi.u32 @!p1 $0x24924925, s17;
	_ =	sdelay $0x1  }
0x3a: {  	s18 =	sand.u32 @!p1 $0x7F, s11;
	s19 =	smul.u32 @!p1 $0x380, s17  }
0x3b: {  	s31 =	sadd.s32 $0xFFFFFFFF, s13;
	s16 =	sor.u32 @!p1 s18, s16;
	s18 =	sxor.u32 @!p1 $0xFFFFFFFF, s13  }
0x3c: {  	s18 =	sshll.u32 @!p1 s18, $0xE;
	s17 =	sand.u32 @!p1 $0x3FFF, s17;
	s16 =	ssub.s32 @!p1 s16, s19  }
0x3d: {  	s17 =	smul.u32 @!p1 $0x70, s17;
	s19 =	sshrl.u32 @!p1 s16, $0x3;
	s16 =	sand.u32 @!p1 $0x7, s16  }
0x3e: {  	s18 =	sand.u32 @!p1 $0x4000, s18;
	s19 =	sadd.s32 @!p1 s6, s19;
	s16 =	sshll.u32 @!p1 s16, $0x12  }
0x3f: {  	s17 =	sadd.s32 @!p1 s17, s19;
	s16 =	sor.u32 @!p1 $0x400, s16;
	s19 =	simm.s32 @!p1 $0x1C00  }
0x40: {  	[tilespmem:s18], [sflag:$0x1] =	stream.strided.gather @!p1 [hbm4b:s17+s16], $0x4000, s19, s16, $0x38;
	[tilespmem:$0x10100] =	vst v63  }
0x41: {  	p1 =	sge.u32 s31, s5  }
.Ltmp2:
0x42: {  	_ = 	snop;
	(pc) =	sbr.rel @p1 .LBB1_5-.Ltmp2, $1  }
0x43: {  	_ =	sdelay $0x3  }
0x44: {  	s16 =	simm.s32 $0x1  }
0x45: {  	_ =	swait.ge [sflag:s4], $0x4000;
	s16 =	simm.s32 @!p0 $0x0  }
0x46: {  	[sflag:s4] =	ssyncset.done $0x0;
	s17 =	sshll.u32 s16, $0xE  }
0x47: {  	[sflag:s4] =	ssyncadd.s32 $0xFFFFC000;
	s17 =	sor.u32 $0x40, s17  }
0x48: {  	s16 =	smul.u32 $0x10200, s16;
	v0 =	vld [tilespmem:s17+$0x30]  }
0x49: {  	v1 =	vld [tilespmem:s17+$0xFFFFFFD0]  }
0x4a: {  	s16 =	sshrl.u32 s16, $0x2;
	v5 =	vld [tilespmem:s17+$0xFFFFFFE0]  }
0x4b: {  	v6 =	vld [tilespmem:s17+$0xFFFFFFF0];
	s19 =	sor.u32 $0x8000, s16  }
0x4c: {  	s31 =	sand.u32 $0x1, s13;
	v4 =	vld [tilespmem:s17+$0x0];
	s18 =	sadd.s32 $0x0, s19  }
0x4d: {  	v3 =	vld [tilespmem:s17+$0x10];
	s16 =	smul.u32 $0x10200, s31;
	[tilespmem:s18+$0x3870 ss:$0x81] =	vst.msk $0xffff, v0  }
0x4e: {  	v2 =	vld [tilespmem:s17+$0x20];
	[tilespmem:s18+$0x810 ss:$0x81] =	vst.msk $0xffff, v1  }
0x4f: {  	s16 =	sshrl.u32 s16, $0x2;
	v1 =	vld [tilespmem:s17+$0xFFFFFFC0];
	[tilespmem:s18+$0x1020 ss:$0x81] =	vst.msk $0xffff, v5;
	s17 =	sadd.s32 $0x80, s17  }
0x50: {  	s20 =	simm.s32 $0x4;
	s21 =	simm.s32 $0x8;
	s16 =	sor.u32 $0x8000, s16;
	[tilespmem:s18+$0x1830 ss:$0x81] =	vst.msk $0xffff, v6;
	v0 =	vld [tilespmem:s17+$0x30]  }
.LBB1_3:
0x51: {  	p1 =	sne.s32 s21, $0x1FC;
	v5 =	vld [tilespmem:s17+$0xFFFFFFD0];
	[tilespmem:s18+$0x2040 ss:$0x81] =	vst.msk $0xffff, v4  }
0x52: {  	v6 =	vld [tilespmem:s17+$0xFFFFFFE0];
	[tilespmem:s18+$0x2850 ss:$0x81] =	vst.msk $0xffff, v3  }
0x53: {  	s22 =	sshra.s32 s20, $0x2;
	s20 =	smov.u32 s21;
	v7 =	vld [tilespmem:s17+$0xFFFFFFF0];
	[tilespmem:s18+$0x3060 ss:$0x81] =	vst.msk $0xffff, v2  }
.Ltmp3:
0x54: {  	v4 =	vld [tilespmem:s17+$0x0];
	[tilespmem:s18+$0x0 ss:$0x81] =	vst.msk $0xffff, v1;
	s18 =	sadd.s32 s22, s19;
	(pc) =	sbr.rel @p1 .LBB1_3-.Ltmp3, $4  }
0x55: {  	v3 =	vld [tilespmem:s17+$0x10];
	[tilespmem:s18+$0x3870 ss:$0x81] =	vst.msk $0xffff, v0  }
0x56: {  	[tilespmem:s18+$0x810 ss:$0x81] =	vst.msk $0xffff, v5;
	v2 =	vld [tilespmem:s17+$0x20]  }
0x57: {  	v1 =	vld [tilespmem:s17+$0xFFFFFFC0];
	[tilespmem:s18+$0x1020 ss:$0x81] =	vst.msk $0xffff, v6;
	s17 =	sadd.s32 $0x80, s17  }
0x58: {  	s21 =	sadd.s32 $0x4, s21;
	v0 =	vld [tilespmem:s17+$0x30];
	[tilespmem:s18+$0x1830 ss:$0x81] =	vst.msk $0xffff, v7  }
.Ltmp4:
0x59: {  	_ = 	snop;
	(pc) =	sbr.rel .LBB1_4-.Ltmp4, $1  }
0x5a: {  	_ =	sdelay $0x3  }
.LBB1_6:
0x5b: {  	_ =	sfence.sel $0x180000  }
0x5c: {  	s2 =	simm.s32 $0x1;
	[bflag:$0x0] =	sbarrier.arrive $0xFFFF  }
0x5d: {  	s31 =	simm.s32 $0x2;
	[sflag:s2] =	ssyncpa.u1 $0x1  }
0x5e: {  	[sflag:s31] =	ssyncpa.u1 $0x1  }
0x5f: {  	p0 =	sne.s32 s0, $0x0;
	_ =	strace $0x9000004A  }
0x60: {  	s0 =	sadd.s32 @!p0 $0x100000, s1;
	[bflag:$0x2] =	sbarrier.arrive $0xFFFF  }
0x61: {  	[sflag:s0] =	ssyncadd.tile.s32 @!p0 $0x1;
	_ =	shalt  }
.Lfunc_end1:
_tile_overlayer_lowered:
.L_overlay_start_2:
0x62: {  	(tag) =	ssettag $0x2  }
0x63: {  	s0 =	rddreg [dreg:$0x0];
	s2 =	stileid.u32  }
0x64: {  	s1 =	rddreg [dreg:$0x1];
	p0 =	sne.s32 s2, $0x0  }
0x65: {  	s3 =	rddreg [dreg:$0x2];
	[bflag:$0x3] =	sbarrier.arrive $0xFFFF;
	s2 =	simm.s32 @!p0 $0x1C01  }
0x66: {  	[timem:s3], [sflag:s2] =	dma.local @!p0 [hbm:s0], s1  }
0x67: {  	s0 =	simm.s32 @!p0 $0x1  }
0x68: {  	_ =	swait.ge @!p0 [sflag:s0], s1  }
0x69: {  	s1 =	ssub.s32 @!p0 $0x0, s1;
	[sflag:s0] =	ssyncset.done @!p0 $0x0  }
0x6a: {  	[sflag:s0] =	ssyncadd.s32 @!p0 s1  }
0x6b: {  	[bflag:$0x3] =	sbarrier.arrive $0xFFFF  }
0x6c: {  	_ =	shalt  }

</sc_bundles>
